<compile_context>
chip_gen: v7x
topology: tpu7x:2x2x1
jax: 0.10.2.dev20260603
libtpu: 0.0.44.dev20260713+nightly
codegen_flags: <defaults>
</compile_context>

<pallas_src>
import functools

import jax
import jax.numpy as jnp
from jax import lax
from jax.experimental import pallas as pl
from jax.experimental.pallas import tpu as pltpu
from jax.experimental.pallas import tpu_sc as plsc

N_NODES = 10000
D_FEAT = 128
N_CLASSES = 16

NC = 2
NS = 16
NW = NC * NS
LANES = 16

NP = 10240
CHUNK = 128
K_OP = 1
NBUF = 2
PAD_NODE = N_NODES
Q0 = 124
Q1 = 36

ROWS_PER_TILE = NP // NS


def _edge_pad(n_edges):
    per = NW * CHUNK * K_OP * NBUF
    return ((n_edges + per - 1) // per) * per



def _make_deg_kernel(e_pad):
    ept = e_pad // NW
    n_ops = ept // (K_OP * CHUNK)
    mesh = plsc.VectorSubcoreMesh(
        core_axis_name="c", subcore_axis_name="s", num_cores=NC, num_subcores=NS)

    @functools.partial(
        pl.kernel,
        out_type=jax.ShapeDtypeStruct((NC, NP, D_FEAT), jnp.float32),
        mesh=mesh,
        scratch_types=[
            pltpu.VMEM((CHUNK,), jnp.int32),
            pltpu.VMEM((CHUNK, D_FEAT), jnp.float32),
            pltpu.VMEM_SHARED((NP, D_FEAT), jnp.float32),
            pltpu.SemaphoreType.DMA,
        ],
    )
    def deg_kernel(dst_hbm, ones_hbm, zeros_hbm, parts_hbm, dst_b, ones_v,
                   acc, sem_o):
        c = lax.axis_index("c")
        s = lax.axis_index("s")
        wid = s * NC + c
        ebase = wid * n_ops * CHUNK

        o_cp = pltpu.async_copy(ones_hbm, ones_v, sem_o)
        rslice = pl.ds(s * ROWS_PER_TILE, ROWS_PER_TILE)
        pltpu.sync_copy(zeros_hbm.at[rslice], acc.at[rslice])
        o_cp.wait()
        plsc.subcore_barrier()

        def body(j, carry):
            pltpu.sync_copy(dst_hbm.at[pl.ds(ebase + j * CHUNK, CHUNK)],
                            dst_b)
            pltpu.sync_copy(ones_v, acc.at[dst_b], add=True)
            return carry
        lax.fori_loop(0, n_ops, body, 0)

        plsc.subcore_barrier()
        pltpu.sync_copy(acc.at[rslice], parts_hbm.at[c, rslice])

    return deg_kernel


def _make_agg_kernel(e_pad, d, q0, q1):
    assert NS * (q0 + q1) * CHUNK == e_pad
    assert q0 % NBUF == 0 and q1 % NBUF == 0
    q_max = max(q0, q1)
    mesh = plsc.VectorSubcoreMesh(
        core_axis_name="c", subcore_axis_name="s", num_cores=NC, num_subcores=NS)

    @functools.partial(
        pl.kernel,
        out_type=jax.ShapeDtypeStruct((NC, NP, d), jnp.float32),
        mesh=mesh,
        scratch_types=[
            pltpu.VMEM((q_max * CHUNK,), jnp.int32),
            [pltpu.VMEM((CHUNK,), jnp.int32) for _ in range(NBUF)],
            [pltpu.VMEM((CHUNK, d), jnp.float32) for _ in range(NBUF)],
            pltpu.VMEM_SHARED((NP, d), jnp.float32),
            [pltpu.SemaphoreType.DMA for _ in range(NBUF)],
            [pltpu.SemaphoreType.DMA for _ in range(NBUF)],
            [pltpu.SemaphoreType.DMA for _ in range(NBUF)],
        ],
    )
    def agg_kernel(src_hbm, dst_hbm, g_hbm, zeros_hbm, parts_hbm,
                   src_v, dst_b, rows, acc, gsem, ssem, isem):
        c = lax.axis_index("c")
        s = lax.axis_index("s")
        is0 = c == 0
        ebase = jnp.where(is0, s * q0, NS * q0 + s * q1) * CHUNK
        n_groups_c = jnp.where(is0, q0 // NBUF, q1 // NBUF)

        i_cp1 = pltpu.async_copy(src_hbm.at[pl.ds(ebase, q_max * CHUNK)],
                                 src_v, gsem[0])
        rslice = pl.ds(s * ROWS_PER_TILE, ROWS_PER_TILE)
        pltpu.sync_copy(zeros_hbm.at[rslice], acc.at[rslice])
        i_cp1.wait()
        plsc.subcore_barrier()

        def gather(b, j):
            return pltpu.async_copy(
                g_hbm.at[src_v.at[pl.ds(j * CHUNK, CHUNK)]], rows[b], gsem[b])

        def load_dst(b, j):
            return pltpu.async_copy(
                dst_hbm.at[pl.ds(ebase + j * CHUNK, CHUNK)], dst_b[b], isem[b])

        for b in range(NBUF):
            load_dst(b, b)
            gather(b, b)

        def group(gi, carry):
            base = gi * NBUF
            for b in range(NBUF):
                j = base + b
                pltpu.make_async_copy(
                    g_hbm.at[src_v.at[pl.ds(j * CHUNK, CHUNK)]], rows[b],
                    gsem[b]).wait()
                pltpu.make_async_copy(
                    dst_hbm.at[pl.ds(ebase + j * CHUNK, CHUNK)], dst_b[b],
                    isem[b]).wait()
                pltpu.async_copy(rows[b], acc.at[dst_b[b]], ssem[b], add=True)
            for b in range(NBUF):
                pltpu.make_async_copy(rows[b], acc.at[dst_b[b]],
                                      ssem[b]).wait()

                @pl.when(gi < n_groups_c - 1)
                def _():
                    load_dst(b, base + NBUF + b)
                    gather(b, base + NBUF + b)
            return carry
        lax.fori_loop(0, n_groups_c, group, 0)

        plsc.subcore_barrier()
        pltpu.sync_copy(acc.at[rslice], parts_hbm.at[c, rslice])

    return agg_kernel



BLK = 512
GRID = NP // BLK


def _prep1_body(parts_ref, x_ref, w1_ref, dinv_ref, g1_ref):
    deg = 1.0 + parts_ref[0] + parts_ref[1]
    dinv = lax.rsqrt(deg)
    dinv_ref[...] = dinv
    h = jnp.dot(x_ref[...], w1_ref[...], preferred_element_type=jnp.float32)
    g1_ref[...] = dinv[:, 0:1] * h


def _prep2_body(parts_ref, g1_ref, dinv_ref, b1_ref, u_ref):
    d1 = dinv_ref[:, 0:1]
    x2 = jax.nn.relu(d1 * (parts_ref[0] + parts_ref[1] + g1_ref[...])
                     + b1_ref[...])
    u_ref[...] = d1 * x2


def _final_body(parts_ref, u_ref, dinv_ref, b2_ref, w2_ref, out_ref):
    t = parts_ref[0] + parts_ref[1] + u_ref[...]
    h2 = jnp.dot(t, w2_ref[...], preferred_element_type=jnp.float32)
    z = jax.nn.relu(dinv_ref[:, 0:1] * h2 + b2_ref[...])
    m = jnp.max(z, axis=1, keepdims=True)
    zs = z - m
    out_ref[...] = zs - jnp.log(jnp.sum(jnp.exp(zs), axis=1, keepdims=True))


def _prep1(deg_parts, x_pad, w1):
    return pl.pallas_call(
        _prep1_body,
        grid=(GRID,),
        in_specs=[
            pl.BlockSpec((NC, BLK, 16), lambda i: (0, i, 0)),
            pl.BlockSpec((BLK, D_FEAT), lambda i: (i, 0)),
            pl.BlockSpec((D_FEAT, D_FEAT), lambda i: (0, 0)),
        ],
        out_specs=[
            pl.BlockSpec((BLK, 16), lambda i: (i, 0)),
            pl.BlockSpec((BLK, D_FEAT), lambda i: (i, 0)),
        ],
        out_shape=[
            jax.ShapeDtypeStruct((NP, 16), jnp.float32),
            jax.ShapeDtypeStruct((NP, D_FEAT), jnp.float32),
        ],
    )(deg_parts, x_pad, w1)


def _prep2(parts1, g1, dinv, b1):
    return pl.pallas_call(
        _prep2_body,
        grid=(GRID,),
        in_specs=[
            pl.BlockSpec((NC, BLK, D_FEAT), lambda i: (0, i, 0)),
            pl.BlockSpec((BLK, D_FEAT), lambda i: (i, 0)),
            pl.BlockSpec((BLK, 16), lambda i: (i, 0)),
            pl.BlockSpec((1, D_FEAT), lambda i: (0, 0)),
        ],
        out_specs=pl.BlockSpec((BLK, D_FEAT), lambda i: (i, 0)),
        out_shape=jax.ShapeDtypeStruct((NP, D_FEAT), jnp.float32),
    )(parts1, g1, dinv, b1)


def _final(parts2, u, dinv, b2, w2):
    return pl.pallas_call(
        _final_body,
        grid=(GRID,),
        in_specs=[
            pl.BlockSpec((NC, BLK, D_FEAT), lambda i: (0, i, 0)),
            pl.BlockSpec((BLK, D_FEAT), lambda i: (i, 0)),
            pl.BlockSpec((BLK, 16), lambda i: (i, 0)),
            pl.BlockSpec((1, N_CLASSES), lambda i: (0, 0)),
            pl.BlockSpec((D_FEAT, N_CLASSES), lambda i: (0, 0)),
        ],
        out_specs=pl.BlockSpec((BLK, N_CLASSES), lambda i: (i, 0)),
        out_shape=jax.ShapeDtypeStruct((NP, N_CLASSES), jnp.float32),
    )(parts2, u, dinv, b2, w2)



def kernel(x, edge_index, W1, b1, W2, b2):
    n_edges = edge_index.shape[1]
    e_pad = _edge_pad(n_edges)

    src = edge_index[0]
    dst = edge_index[1]
    pad = jnp.full((e_pad - n_edges,), PAD_NODE, jnp.int32)
    src_1d = jnp.concatenate([src, pad])
    dst_1d = jnp.concatenate([dst, pad])

    x_pad = jnp.pad(x, ((0, NP - x.shape[0]), (0, 0)))
    zeros128 = jnp.zeros((NP, D_FEAT), jnp.float32)

    ones128 = jnp.ones((CHUNK, D_FEAT), jnp.float32)
    deg_parts = _make_deg_kernel(e_pad)(dst_1d, ones128, zeros128)[:, :, :16]
    dinv, g1 = _prep1(deg_parts, x_pad, W1)

    parts1 = _make_agg_kernel(e_pad, D_FEAT, Q0, Q1)(src_1d, dst_1d, g1,
                                                     zeros128)
    u = _prep2(parts1, g1, dinv, b1.reshape(1, -1))

    parts2 = _make_agg_kernel(e_pad, D_FEAT, Q0, Q1)(src_1d, dst_1d, u,
                                                     zeros128)
    y = _final(parts2, u, dinv, b2.reshape(1, -1), W2)

    return y[:N_NODES]

# --- scband reference (transcript-rebuilt; emitter-appended) ---
"""Pipeline reference for scband-agg-gcnconv-30227979829558 (READ-ONLY COPY).

The authoritative reference and input builder live on the scoring server;
editing this copy changes nothing except your own understanding.
"""

import jax, jax.numpy as jnp
import numpy as np

N_NODES = 10000
N_EDGES = 320000
D_FEAT = 128
N_HIDDEN = 128
N_CLASSES = 16


def gcn_conv(x, edge_index, W, b):
    # PyG GCNConv with normalize=True: linear transform, add self-loops,
    # symmetric normalization deg^-1/2 A_hat deg^-1/2, scatter-add aggregation, bias.
    num_nodes = x.shape[0]
    src = edge_index[0]
    dst = edge_index[1]
    loop = jnp.arange(num_nodes, dtype=src.dtype)
    src = jnp.concatenate([src, loop])
    dst = jnp.concatenate([dst, loop])
    ones = jnp.ones(src.shape[0], dtype=x.dtype)
    deg = jax.ops.segment_sum(ones, dst, num_segments=num_nodes)
    dinv = jnp.where(deg > 0, deg ** -0.5, 0.0)
    norm = dinv[src] * dinv[dst]
    h = x @ W
    msg = h[src] * norm[:, None]
    out = jax.ops.segment_sum(msg, dst, num_segments=num_nodes)
    return out + b


def setup_inputs(seed: int = 0) -> dict:
    key = jax.random.key(seed)
    k1, k2, k3, k4 = jax.random.split(key, 4)
    x = jax.random.normal(k1, (N_NODES, D_FEAT), dtype=jnp.float32)
    edge_index = jax.random.randint(k2, (2, N_EDGES), 0, N_NODES, dtype=jnp.int32)
    # GCNConv weights (glorot-ish init) and zero biases
    W1 = jax.random.normal(k3, (D_FEAT, N_HIDDEN), dtype=jnp.float32) * (1.0 / np.sqrt(D_FEAT))
    b1 = jnp.zeros((N_HIDDEN,), dtype=jnp.float32)
    W2 = jax.random.normal(k4, (N_HIDDEN, N_CLASSES), dtype=jnp.float32) * (1.0 / np.sqrt(N_HIDDEN))
    b2 = jnp.zeros((N_CLASSES,), dtype=jnp.float32)
    return {"x": x, "edge_index": edge_index, "W1": W1, "b1": b1, "W2": W2, "b2": b2}


def reference(x, edge_index, W1, b1, W2, b2):
    h = jax.nn.relu(gcn_conv(x, edge_index, W1, b1))
    # dropout is identity in eval mode (training=False)
    h = jax.nn.relu(gcn_conv(h, edge_index, W2, b2))
    return jax.nn.log_softmax(h, axis=-1)

if __name__ == "__main__":
    import jax
    _d = setup_inputs()
    print(jax.jit(kernel)(*tuple(_d.values())))

</pallas_src>

<mosaic_0001>
#map = affine_map<(d0, d1) -> (0)>
#map1 = affine_map<(d0, d1) -> (0, 0)>
#map2 = affine_map<(d0, d1) -> (0, 0, 0)>
module attributes {stable_mosaic.version = 14 : i64} {
  func.func @agg_kernel(%arg0: i32, %arg1: i32, %arg2: memref<327680xi32, #tpu.memory_space<hbm>>, %arg3: memref<327680xi32, #tpu.memory_space<hbm>>, %arg4: memref<10240x128xf32, #tpu.memory_space<hbm>>, %arg5: memref<10240x128xf32, #tpu.memory_space<hbm>>, %arg6: memref<2x10240x128xf32, #tpu.memory_space<hbm>>, %arg7: memref<15872xi32, #tpu.memory_space<vmem>>, %arg8: memref<128xi32, #tpu.memory_space<vmem>>, %arg9: memref<128xi32, #tpu.memory_space<vmem>>, %arg10: memref<128x128xf32, #tpu.memory_space<vmem>>, %arg11: memref<128x128xf32, #tpu.memory_space<vmem>>, %arg12: memref<10240x128xf32, #tpu.memory_space<vmem_shared>>, %arg13: memref<!tpu.dma_semaphore, #tpu.memory_space<semaphore_mem>>, %arg14: memref<!tpu.dma_semaphore, #tpu.memory_space<semaphore_mem>>, %arg15: memref<!tpu.dma_semaphore, #tpu.memory_space<semaphore_mem>>, %arg16: memref<!tpu.dma_semaphore, #tpu.memory_space<semaphore_mem>>, %arg17: memref<!tpu.dma_semaphore, #tpu.memory_space<semaphore_mem>>, %arg18: memref<!tpu.dma_semaphore, #tpu.memory_space<semaphore_mem>>) attributes {dimension_semantics = [#tpu.dimension_semantics<core_parallel>, #tpu.dimension_semantics<subcore_parallel>], iteration_bounds = array<i64: 2, 16>, scalar_prefetch = 0 : i64, scratch_operands = 12 : i64, tpu.core_type = #tpu.core_type<sc_vector_subcore>, window_params = [{transform_indices = #map}, {transform_indices = #map}, {transform_indices = #map1}, {transform_indices = #map1}, {transform_indices = #map2}]} {
    %eq3A = arith.constant 0 : i32
    %eq3A_0 = arith.cmpi eq, %arg0, %eq3A : i32
    %mul3A = arith.constant 124 : i32
    %mul3A_1 = arith.muli %arg1, %mul3A : i32
    %mul3A_2 = arith.constant 36 : i32
    %mul3A_3 = arith.muli %arg1, %mul3A_2 : i32
    %add3A = arith.constant 1984 : i32
    %add3A_4 = arith.addi %add3A, %mul3A_3 : i32
    %select_n3A = arith.select %eq3A_0, %mul3A_1, %add3A_4 : i32
    %mul3A_5 = arith.constant 128 : i32
    %mul3A_6 = arith.muli %select_n3A, %mul3A_5 : i32
    %jit3A = arith.constant 62 : i32
    %jit3A_7 = arith.constant 18 : i32
    %select_n3A_8 = arith.select %eq3A_0, %jit3A, %jit3A_7 : i32
    %dma_start3A = tpu.memref_slice %arg2[%mul3A_6] : memref<327680xi32, #tpu.memory_space<hbm>> -> memref<15872xi32, #tpu.memory_space<hbm>>
    %dma_start3A_9 = tpu.memref_slice %arg2[%mul3A_6] : memref<327680xi32, #tpu.memory_space<hbm>> -> memref<15872xi32, #tpu.memory_space<hbm>>
    tpu.enqueue_dma source(%dma_start3A_9 : memref<15872xi32, #tpu.memory_space<hbm>>) target(%arg7 : memref<15872xi32, #tpu.memory_space<vmem>>) target_semaphore(%arg13 : memref<!tpu.dma_semaphore, #tpu.memory_space<semaphore_mem>>)
    %mul3A_10 = arith.constant 640 : i32
    %mul3A_11 = arith.muli %arg1, %mul3A_10 : i32
    "tpu.region"() ({
      %run_scoped3A = tpu.sem_alloc : memref<!tpu.dma_semaphore, #tpu.memory_space<semaphore_mem>>
      %dma_start3A_41 = arith.constant 0 : i32
      %dma_start3A_42 = tpu.memref_slice %arg12[%mul3A_11, %dma_start3A_41] : memref<10240x128xf32, #tpu.memory_space<vmem_shared>> -> memref<640x128xf32, #tpu.memory_space<vmem_shared>>
      %dma_start3A_43 = arith.constant 0 : i32
      %dma_start3A_44 = tpu.memref_slice %arg5[%mul3A_11, %dma_start3A_43] : memref<10240x128xf32, #tpu.memory_space<hbm>> -> memref<640x128xf32, #tpu.memory_space<hbm>>
      tpu.enqueue_dma source(%dma_start3A_44 : memref<640x128xf32, #tpu.memory_space<hbm>>) target(%dma_start3A_42 : memref<640x128xf32, #tpu.memory_space<vmem_shared>>) target_semaphore(%run_scoped3A : memref<!tpu.dma_semaphore, #tpu.memory_space<semaphore_mem>>)
      %dma_wait3A_45 = arith.constant 0 : i32
      %dma_wait3A_46 = tpu.memref_slice %arg12[%mul3A_11, %dma_wait3A_45] : memref<10240x128xf32, #tpu.memory_space<vmem_shared>> -> memref<640x128xf32, #tpu.memory_space<vmem_shared>>
      %dma_wait3A_47 = arith.constant 0 : i32
      %dma_wait3A_48 = tpu.memref_slice %arg5[%mul3A_11, %dma_wait3A_47] : memref<10240x128xf32, #tpu.memory_space<hbm>> -> memref<640x128xf32, #tpu.memory_space<hbm>>
      tpu.wait_dma2 semaphore(%run_scoped3A : memref<!tpu.dma_semaphore, #tpu.memory_space<semaphore_mem>>) src(%dma_wait3A_48 : memref<640x128xf32, #tpu.memory_space<hbm>>) dst(%dma_wait3A_46 : memref<640x128xf32, #tpu.memory_space<vmem_shared>>)
      tpu.yield
    }) : () -> ()
    %dma_wait3A = tpu.memref_slice %arg2[%mul3A_6] : memref<327680xi32, #tpu.memory_space<hbm>> -> memref<15872xi32, #tpu.memory_space<hbm>>
    %dma_wait3A_12 = tpu.memref_slice %arg2[%mul3A_6] : memref<327680xi32, #tpu.memory_space<hbm>> -> memref<15872xi32, #tpu.memory_space<hbm>>
    tpu.wait_dma2 semaphore(%arg13 : memref<!tpu.dma_semaphore, #tpu.memory_space<semaphore_mem>>) src(%dma_wait3A_12 : memref<15872xi32, #tpu.memory_space<hbm>>) dst(%arg7 : memref<15872xi32, #tpu.memory_space<vmem>>)
    %barrier3A = arith.constant 0 : index
    tpu.barrier barrier_id(%barrier3A)
    %add3A_13 = arith.constant 0 : i32
    %add3A_14 = arith.addi %mul3A_6, %add3A_13 : i32
    %dma_start3A_15 = tpu.memref_slice %arg3[%add3A_14] : memref<327680xi32, #tpu.memory_space<hbm>> -> memref<128xi32, #tpu.memory_space<hbm>>
    %dma_start3A_16 = tpu.memref_slice %arg3[%add3A_14] : memref<327680xi32, #tpu.memory_space<hbm>> -> memref<128xi32, #tpu.memory_space<hbm>>
    tpu.enqueue_dma source(%dma_start3A_16 : memref<128xi32, #tpu.memory_space<hbm>>) target(%arg8 : memref<128xi32, #tpu.memory_space<vmem>>) target_semaphore(%arg17 : memref<!tpu.dma_semaphore, #tpu.memory_space<semaphore_mem>>)
    %dma_start3A_17 = arith.constant 0 : i32
    %dma_start3A_18 = tpu.memref_slice %arg7[%dma_start3A_17] : memref<15872xi32, #tpu.memory_space<vmem>> -> memref<128xi32, #tpu.memory_space<vmem>>
    %dma_start3A_19 = arith.constant 0 : i32
    %dma_start3A_20 = arith.constant 0 : i32
    %dma_start3A_21 = tpu.memref_slice %arg4[%dma_start3A_19, %dma_start3A_20] : memref<10240x128xf32, #tpu.memory_space<hbm>> -> memref<10240x128xf32, #tpu.memory_space<hbm>>
    tpu.enqueue_indirect_dma source(%dma_start3A_21 : memref<10240x128xf32, #tpu.memory_space<hbm>>) target(%arg10 : memref<128x128xf32, #tpu.memory_space<vmem>>) offsets(%dma_start3A_18 : memref<128xi32, #tpu.memory_space<vmem>>) semaphore(%arg13 : memref<!tpu.dma_semaphore, #tpu.memory_space<semaphore_mem>>)
    %add3A_22 = arith.constant 128 : i32
    %add3A_23 = arith.addi %mul3A_6, %add3A_22 : i32
    %dma_start3A_24 = tpu.memref_slice %arg3[%add3A_23] : memref<327680xi32, #tpu.memory_space<hbm>> -> memref<128xi32, #tpu.memory_space<hbm>>
    %dma_start3A_25 = tpu.memref_slice %arg3[%add3A_23] : memref<327680xi32, #tpu.memory_space<hbm>> -> memref<128xi32, #tpu.memory_space<hbm>>
    tpu.enqueue_dma source(%dma_start3A_25 : memref<128xi32, #tpu.memory_space<hbm>>) target(%arg9 : memref<128xi32, #tpu.memory_space<vmem>>) target_semaphore(%arg18 : memref<!tpu.dma_semaphore, #tpu.memory_space<semaphore_mem>>)
    %dma_start3A_26 = arith.constant 128 : i32
    %dma_start3A_27 = tpu.memref_slice %arg7[%dma_start3A_26] : memref<15872xi32, #tpu.memory_space<vmem>> -> memref<128xi32, #tpu.memory_space<vmem>>
    %dma_start3A_28 = arith.constant 0 : i32
    %dma_start3A_29 = arith.constant 0 : i32
    %dma_start3A_30 = tpu.memref_slice %arg4[%dma_start3A_28, %dma_start3A_29] : memref<10240x128xf32, #tpu.memory_space<hbm>> -> memref<10240x128xf32, #tpu.memory_space<hbm>>
    tpu.enqueue_indirect_dma source(%dma_start3A_30 : memref<10240x128xf32, #tpu.memory_space<hbm>>) target(%arg11 : memref<128x128xf32, #tpu.memory_space<vmem>>) offsets(%dma_start3A_27 : memref<128xi32, #tpu.memory_space<vmem>>) semaphore(%arg14 : memref<!tpu.dma_semaphore, #tpu.memory_space<semaphore_mem>>)
    %while3A = arith.constant 0 : i32
    %while3A_31 = arith.constant 0 : i32
    %while3A_32 = arith.subi %select_n3A_8, %while3A_31 : i32
    %while3A_33 = arith.addi %while3A_31, %while3A_32 : i32
    %while3A_34 = arith.constant 1 : i32
    %while3A_35 = arith.divsi %while3A_32, %while3A_34 : i32
    %while3A_36 = arith.muli %while3A_35, %while3A_34 : i32
    %while3A_37 = arith.addi %while3A_31, %while3A_36 : i32
    %while3A_38 = arith.constant 1 : i32
    scf.for %while3A_41 = %while3A_31 to %while3A_37 step %while3A_38  : i32 {
      %mul3A_42 = arith.constant 2 : i32
      %mul3A_43 = arith.muli %while3A_41, %mul3A_42 : i32
      %add3A_44 = arith.constant 0 : i32
      %add3A_45 = arith.addi %mul3A_43, %add3A_44 : i32
      %mul3A_46 = arith.constant 128 : i32
      %mul3A_47 = arith.muli %add3A_45, %mul3A_46 : i32
      %dma_wait3A_48 = tpu.memref_slice %arg7[%mul3A_47] : memref<15872xi32, #tpu.memory_space<vmem>> -> memref<128xi32, #tpu.memory_space<vmem>>
      %dma_wait3A_49 = arith.constant 0 : i32
      %dma_wait3A_50 = arith.constant 0 : i32
      %dma_wait3A_51 = tpu.memref_slice %arg4[%dma_wait3A_49, %dma_wait3A_50] : memref<10240x128xf32, #tpu.memory_space<hbm>> -> memref<10240x128xf32, #tpu.memory_space<hbm>>
      tpu.wait_indirect_dma semaphore(%arg13 : memref<!tpu.dma_semaphore, #tpu.memory_space<semaphore_mem>>) src(%dma_wait3A_51 : memref<10240x128xf32, #tpu.memory_space<hbm>>) dst(%arg10 : memref<128x128xf32, #tpu.memory_space<vmem>>)
      %mul3A_52 = arith.constant 128 : i32
      %mul3A_53 = arith.muli %add3A_45, %mul3A_52 : i32
      %add3A_54 = arith.addi %mul3A_6, %mul3A_53 : i32
      %dma_wait3A_55 = tpu.memref_slice %arg3[%add3A_54] : memref<327680xi32, #tpu.memory_space<hbm>> -> memref<128xi32, #tpu.memory_space<hbm>>
      %dma_wait3A_56 = tpu.memref_slice %arg3[%add3A_54] : memref<327680xi32, #tpu.memory_space<hbm>> -> memref<128xi32, #tpu.memory_space<hbm>>
      tpu.wait_dma2 semaphore(%arg17 : memref<!tpu.dma_semaphore, #tpu.memory_space<semaphore_mem>>) src(%dma_wait3A_56 : memref<128xi32, #tpu.memory_space<hbm>>) dst(%arg8 : memref<128xi32, #tpu.memory_space<vmem>>)
      %dma_start3A_57 = arith.constant 0 : i32
      %dma_start3A_58 = arith.constant 0 : i32
      %dma_start3A_59 = tpu.memref_slice %arg12[%dma_start3A_57, %dma_start3A_58] : memref<10240x128xf32, #tpu.memory_space<vmem_shared>> -> memref<10240x128xf32, #tpu.memory_space<vmem_shared>>
      tpu.enqueue_indirect_dma source(%arg10 : memref<128x128xf32, #tpu.memory_space<vmem>>) target(%dma_start3A_59 : memref<10240x128xf32, #tpu.memory_space<vmem_shared>>) offsets(%arg8 : memref<128xi32, #tpu.memory_space<vmem>>) semaphore(%arg15 : memref<!tpu.dma_semaphore, #tpu.memory_space<semaphore_mem>>) {add = true}
      %add3A_60 = arith.constant 1 : i32
      %add3A_61 = arith.addi %mul3A_43, %add3A_60 : i32
      %mul3A_62 = arith.constant 128 : i32
      %mul3A_63 = arith.muli %add3A_61, %mul3A_62 : i32
      %dma_wait3A_64 = tpu.memref_slice %arg7[%mul3A_63] : memref<15872xi32, #tpu.memory_space<vmem>> -> memref<128xi32, #tpu.memory_space<vmem>>
      %dma_wait3A_65 = arith.constant 0 : i32
      %dma_wait3A_66 = arith.constant 0 : i32
      %dma_wait3A_67 = tpu.memref_slice %arg4[%dma_wait3A_65, %dma_wait3A_66] : memref<10240x128xf32, #tpu.memory_space<hbm>> -> memref<10240x128xf32, #tpu.memory_space<hbm>>
      tpu.wait_indirect_dma semaphore(%arg14 : memref<!tpu.dma_semaphore, #tpu.memory_space<semaphore_mem>>) src(%dma_wait3A_67 : memref<10240x128xf32, #tpu.memory_space<hbm>>) dst(%arg11 : memref<128x128xf32, #tpu.memory_space<vmem>>)
      %mul3A_68 = arith.constant 128 : i32
      %mul3A_69 = arith.muli %add3A_61, %mul3A_68 : i32
      %add3A_70 = arith.addi %mul3A_6, %mul3A_69 : i32
      %dma_wait3A_71 = tpu.memref_slice %arg3[%add3A_70] : memref<327680xi32, #tpu.memory_space<hbm>> -> memref<128xi32, #tpu.memory_space<hbm>>
      %dma_wait3A_72 = tpu.memref_slice %arg3[%add3A_70] : memref<327680xi32, #tpu.memory_space<hbm>> -> memref<128xi32, #tpu.memory_space<hbm>>
      tpu.wait_dma2 semaphore(%arg18 : memref<!tpu.dma_semaphore, #tpu.memory_space<semaphore_mem>>) src(%dma_wait3A_72 : memref<128xi32, #tpu.memory_space<hbm>>) dst(%arg9 : memref<128xi32, #tpu.memory_space<vmem>>)
      %dma_start3A_73 = arith.constant 0 : i32
      %dma_start3A_74 = arith.constant 0 : i32
      %dma_start3A_75 = tpu.memref_slice %arg12[%dma_start3A_73, %dma_start3A_74] : memref<10240x128xf32, #tpu.memory_space<vmem_shared>> -> memref<10240x128xf32, #tpu.memory_space<vmem_shared>>
      tpu.enqueue_indirect_dma source(%arg11 : memref<128x128xf32, #tpu.memory_space<vmem>>) target(%dma_start3A_75 : memref<10240x128xf32, #tpu.memory_space<vmem_shared>>) offsets(%arg9 : memref<128xi32, #tpu.memory_space<vmem>>) semaphore(%arg16 : memref<!tpu.dma_semaphore, #tpu.memory_space<semaphore_mem>>) {add = true}
      %dma_wait3A_76 = arith.constant 0 : i32
      %dma_wait3A_77 = arith.constant 0 : i32
      %dma_wait3A_78 = tpu.memref_slice %arg12[%dma_wait3A_76, %dma_wait3A_77] : memref<10240x128xf32, #tpu.memory_space<vmem_shared>> -> memref<10240x128xf32, #tpu.memory_space<vmem_shared>>
      tpu.wait_indirect_dma semaphore(%arg15 : memref<!tpu.dma_semaphore, #tpu.memory_space<semaphore_mem>>) src(%arg10 : memref<128x128xf32, #tpu.memory_space<vmem>>) dst(%dma_wait3A_78 : memref<10240x128xf32, #tpu.memory_space<vmem_shared>>)
      %sub3A = arith.constant 1 : i32
      %sub3A_79 = arith.subi %select_n3A_8, %sub3A : i32
      %lt3A = arith.cmpi slt, %while3A_41, %sub3A_79 : i32
      %convert_element_type3A = arith.extui %lt3A : i1 to i32
      %cond3A = arith.constant 0 : i32
      %cond3A_80 = arith.cmpi ne, %convert_element_type3A, %cond3A : i32
      scf.if %cond3A_80 {
        %add3A_90 = arith.constant 2 : i32
        %add3A_91 = arith.addi %mul3A_43, %add3A_90 : i32
        %add3A_92 = arith.constant 0 : i32
        %add3A_93 = arith.addi %add3A_91, %add3A_92 : i32
        %mul3A_94 = arith.constant 128 : i32
        %mul3A_95 = arith.muli %add3A_93, %mul3A_94 : i32
        %add3A_96 = arith.addi %mul3A_6, %mul3A_95 : i32
        %dma_start3A_97 = tpu.memref_slice %arg3[%add3A_96] : memref<327680xi32, #tpu.memory_space<hbm>> -> memref<128xi32, #tpu.memory_space<hbm>>
        %dma_start3A_98 = tpu.memref_slice %arg3[%add3A_96] : memref<327680xi32, #tpu.memory_space<hbm>> -> memref<128xi32, #tpu.memory_space<hbm>>
        tpu.enqueue_dma source(%dma_start3A_98 : memref<128xi32, #tpu.memory_space<hbm>>) target(%arg8 : memref<128xi32, #tpu.memory_space<vmem>>) target_semaphore(%arg17 : memref<!tpu.dma_semaphore, #tpu.memory_space<semaphore_mem>>)
        %add3A_99 = arith.constant 2 : i32
        %add3A_100 = arith.addi %mul3A_43, %add3A_99 : i32
        %add3A_101 = arith.constant 0 : i32
        %add3A_102 = arith.addi %add3A_100, %add3A_101 : i32
        %mul3A_103 = arith.constant 128 : i32
        %mul3A_104 = arith.muli %add3A_102, %mul3A_103 : i32
        %dma_start3A_105 = tpu.memref_slice %arg7[%mul3A_104] : memref<15872xi32, #tpu.memory_space<vmem>> -> memref<128xi32, #tpu.memory_space<vmem>>
        %dma_start3A_106 = arith.constant 0 : i32
        %dma_start3A_107 = arith.constant 0 : i32
        %dma_start3A_108 = tpu.memref_slice %arg4[%dma_start3A_106, %dma_start3A_107] : memref<10240x128xf32, #tpu.memory_space<hbm>> -> memref<10240x128xf32, #tpu.memory_space<hbm>>
        tpu.enqueue_indirect_dma source(%dma_start3A_108 : memref<10240x128xf32, #tpu.memory_space<hbm>>) target(%arg10 : memref<128x128xf32, #tpu.memory_space<vmem>>) offsets(%dma_start3A_105 : memref<128xi32, #tpu.memory_space<vmem>>) semaphore(%arg13 : memref<!tpu.dma_semaphore, #tpu.memory_space<semaphore_mem>>)
      } else {
      }
      %dma_wait3A_81 = arith.constant 0 : i32
      %dma_wait3A_82 = arith.constant 0 : i32
      %dma_wait3A_83 = tpu.memref_slice %arg12[%dma_wait3A_81, %dma_wait3A_82] : memref<10240x128xf32, #tpu.memory_space<vmem_shared>> -> memref<10240x128xf32, #tpu.memory_space<vmem_shared>>
      tpu.wait_indirect_dma semaphore(%arg16 : memref<!tpu.dma_semaphore, #tpu.memory_space<semaphore_mem>>) src(%arg11 : memref<128x128xf32, #tpu.memory_space<vmem>>) dst(%dma_wait3A_83 : memref<10240x128xf32, #tpu.memory_space<vmem_shared>>)
      %sub3A_84 = arith.constant 1 : i32
      %sub3A_85 = arith.subi %select_n3A_8, %sub3A_84 : i32
      %lt3A_86 = arith.cmpi slt, %while3A_41, %sub3A_85 : i32
      %convert_element_type3A_87 = arith.extui %lt3A_86 : i1 to i32
      %cond3A_88 = arith.constant 0 : i32
      %cond3A_89 = arith.cmpi ne, %convert_element_type3A_87, %cond3A_88 : i32
      scf.if %cond3A_89 {
        %add3A_90 = arith.constant 2 : i32
        %add3A_91 = arith.addi %mul3A_43, %add3A_90 : i32
        %add3A_92 = arith.constant 1 : i32
        %add3A_93 = arith.addi %add3A_91, %add3A_92 : i32
        %mul3A_94 = arith.constant 128 : i32
        %mul3A_95 = arith.muli %add3A_93, %mul3A_94 : i32
        %add3A_96 = arith.addi %mul3A_6, %mul3A_95 : i32
        %dma_start3A_97 = tpu.memref_slice %arg3[%add3A_96] : memref<327680xi32, #tpu.memory_space<hbm>> -> memref<128xi32, #tpu.memory_space<hbm>>
        %dma_start3A_98 = tpu.memref_slice %arg3[%add3A_96] : memref<327680xi32, #tpu.memory_space<hbm>> -> memref<128xi32, #tpu.memory_space<hbm>>
        tpu.enqueue_dma source(%dma_start3A_98 : memref<128xi32, #tpu.memory_space<hbm>>) target(%arg9 : memref<128xi32, #tpu.memory_space<vmem>>) target_semaphore(%arg18 : memref<!tpu.dma_semaphore, #tpu.memory_space<semaphore_mem>>)
        %add3A_99 = arith.constant 2 : i32
        %add3A_100 = arith.addi %mul3A_43, %add3A_99 : i32
        %add3A_101 = arith.constant 1 : i32
        %add3A_102 = arith.addi %add3A_100, %add3A_101 : i32
        %mul3A_103 = arith.constant 128 : i32
        %mul3A_104 = arith.muli %add3A_102, %mul3A_103 : i32
        %dma_start3A_105 = tpu.memref_slice %arg7[%mul3A_104] : memref<15872xi32, #tpu.memory_space<vmem>> -> memref<128xi32, #tpu.memory_space<vmem>>
        %dma_start3A_106 = arith.constant 0 : i32
        %dma_start3A_107 = arith.constant 0 : i32
        %dma_start3A_108 = tpu.memref_slice %arg4[%dma_start3A_106, %dma_start3A_107] : memref<10240x128xf32, #tpu.memory_space<hbm>> -> memref<10240x128xf32, #tpu.memory_space<hbm>>
        tpu.enqueue_indirect_dma source(%dma_start3A_108 : memref<10240x128xf32, #tpu.memory_space<hbm>>) target(%arg11 : memref<128x128xf32, #tpu.memory_space<vmem>>) offsets(%dma_start3A_105 : memref<128xi32, #tpu.memory_space<vmem>>) semaphore(%arg14 : memref<!tpu.dma_semaphore, #tpu.memory_space<semaphore_mem>>)
      } else {
      }
    }
    %while3A_39 = arith.constant 1 : i32
    scf.for %while3A_41 = %while3A_37 to %while3A_33 step %while3A_39  : i32 {
      %mul3A_42 = arith.constant 2 : i32
      %mul3A_43 = arith.muli %while3A_41, %mul3A_42 : i32
      %add3A_44 = arith.constant 0 : i32
      %add3A_45 = arith.addi %mul3A_43, %add3A_44 : i32
      %mul3A_46 = arith.constant 128 : i32
      %mul3A_47 = arith.muli %add3A_45, %mul3A_46 : i32
      %dma_wait3A_48 = tpu.memref_slice %arg7[%mul3A_47] : memref<15872xi32, #tpu.memory_space<vmem>> -> memref<128xi32, #tpu.memory_space<vmem>>
      %dma_wait3A_49 = arith.constant 0 : i32
      %dma_wait3A_50 = arith.constant 0 : i32
      %dma_wait3A_51 = tpu.memref_slice %arg4[%dma_wait3A_49, %dma_wait3A_50] : memref<10240x128xf32, #tpu.memory_space<hbm>> -> memref<10240x128xf32, #tpu.memory_space<hbm>>
      tpu.wait_indirect_dma semaphore(%arg13 : memref<!tpu.dma_semaphore, #tpu.memory_space<semaphore_mem>>) src(%dma_wait3A_51 : memref<10240x128xf32, #tpu.memory_space<hbm>>) dst(%arg10 : memref<128x128xf32, #tpu.memory_space<vmem>>)
      %mul3A_52 = arith.constant 128 : i32
      %mul3A_53 = arith.muli %add3A_45, %mul3A_52 : i32
      %add3A_54 = arith.addi %mul3A_6, %mul3A_53 : i32
      %dma_wait3A_55 = tpu.memref_slice %arg3[%add3A_54] : memref<327680xi32, #tpu.memory_space<hbm>> -> memref<128xi32, #tpu.memory_space<hbm>>
      %dma_wait3A_56 = tpu.memref_slice %arg3[%add3A_54] : memref<327680xi32, #tpu.memory_space<hbm>> -> memref<128xi32, #tpu.memory_space<hbm>>
      tpu.wait_dma2 semaphore(%arg17 : memref<!tpu.dma_semaphore, #tpu.memory_space<semaphore_mem>>) src(%dma_wait3A_56 : memref<128xi32, #tpu.memory_space<hbm>>) dst(%arg8 : memref<128xi32, #tpu.memory_space<vmem>>)
      %dma_start3A_57 = arith.constant 0 : i32
      %dma_start3A_58 = arith.constant 0 : i32
      %dma_start3A_59 = tpu.memref_slice %arg12[%dma_start3A_57, %dma_start3A_58] : memref<10240x128xf32, #tpu.memory_space<vmem_shared>> -> memref<10240x128xf32, #tpu.memory_space<vmem_shared>>
      tpu.enqueue_indirect_dma source(%arg10 : memref<128x128xf32, #tpu.memory_space<vmem>>) target(%dma_start3A_59 : memref<10240x128xf32, #tpu.memory_space<vmem_shared>>) offsets(%arg8 : memref<128xi32, #tpu.memory_space<vmem>>) semaphore(%arg15 : memref<!tpu.dma_semaphore, #tpu.memory_space<semaphore_mem>>) {add = true}
      %add3A_60 = arith.constant 1 : i32
      %add3A_61 = arith.addi %mul3A_43, %add3A_60 : i32
      %mul3A_62 = arith.constant 128 : i32
      %mul3A_63 = arith.muli %add3A_61, %mul3A_62 : i32
      %dma_wait3A_64 = tpu.memref_slice %arg7[%mul3A_63] : memref<15872xi32, #tpu.memory_space<vmem>> -> memref<128xi32, #tpu.memory_space<vmem>>
      %dma_wait3A_65 = arith.constant 0 : i32
      %dma_wait3A_66 = arith.constant 0 : i32
      %dma_wait3A_67 = tpu.memref_slice %arg4[%dma_wait3A_65, %dma_wait3A_66] : memref<10240x128xf32, #tpu.memory_space<hbm>> -> memref<10240x128xf32, #tpu.memory_space<hbm>>
      tpu.wait_indirect_dma semaphore(%arg14 : memref<!tpu.dma_semaphore, #tpu.memory_space<semaphore_mem>>) src(%dma_wait3A_67 : memref<10240x128xf32, #tpu.memory_space<hbm>>) dst(%arg11 : memref<128x128xf32, #tpu.memory_space<vmem>>)
      %mul3A_68 = arith.constant 128 : i32
      %mul3A_69 = arith.muli %add3A_61, %mul3A_68 : i32
      %add3A_70 = arith.addi %mul3A_6, %mul3A_69 : i32
      %dma_wait3A_71 = tpu.memref_slice %arg3[%add3A_70] : memref<327680xi32, #tpu.memory_space<hbm>> -> memref<128xi32, #tpu.memory_space<hbm>>
      %dma_wait3A_72 = tpu.memref_slice %arg3[%add3A_70] : memref<327680xi32, #tpu.memory_space<hbm>> -> memref<128xi32, #tpu.memory_space<hbm>>
      tpu.wait_dma2 semaphore(%arg18 : memref<!tpu.dma_semaphore, #tpu.memory_space<semaphore_mem>>) src(%dma_wait3A_72 : memref<128xi32, #tpu.memory_space<hbm>>) dst(%arg9 : memref<128xi32, #tpu.memory_space<vmem>>)
      %dma_start3A_73 = arith.constant 0 : i32
      %dma_start3A_74 = arith.constant 0 : i32
      %dma_start3A_75 = tpu.memref_slice %arg12[%dma_start3A_73, %dma_start3A_74] : memref<10240x128xf32, #tpu.memory_space<vmem_shared>> -> memref<10240x128xf32, #tpu.memory_space<vmem_shared>>
      tpu.enqueue_indirect_dma source(%arg11 : memref<128x128xf32, #tpu.memory_space<vmem>>) target(%dma_start3A_75 : memref<10240x128xf32, #tpu.memory_space<vmem_shared>>) offsets(%arg9 : memref<128xi32, #tpu.memory_space<vmem>>) semaphore(%arg16 : memref<!tpu.dma_semaphore, #tpu.memory_space<semaphore_mem>>) {add = true}
      %dma_wait3A_76 = arith.constant 0 : i32
      %dma_wait3A_77 = arith.constant 0 : i32
      %dma_wait3A_78 = tpu.memref_slice %arg12[%dma_wait3A_76, %dma_wait3A_77] : memref<10240x128xf32, #tpu.memory_space<vmem_shared>> -> memref<10240x128xf32, #tpu.memory_space<vmem_shared>>
      tpu.wait_indirect_dma semaphore(%arg15 : memref<!tpu.dma_semaphore, #tpu.memory_space<semaphore_mem>>) src(%arg10 : memref<128x128xf32, #tpu.memory_space<vmem>>) dst(%dma_wait3A_78 : memref<10240x128xf32, #tpu.memory_space<vmem_shared>>)
      %sub3A = arith.constant 1 : i32
      %sub3A_79 = arith.subi %select_n3A_8, %sub3A : i32
      %lt3A = arith.cmpi slt, %while3A_41, %sub3A_79 : i32
      %convert_element_type3A = arith.extui %lt3A : i1 to i32
      %cond3A = arith.constant 0 : i32
      %cond3A_80 = arith.cmpi ne, %convert_element_type3A, %cond3A : i32
      scf.if %cond3A_80 {
        %add3A_90 = arith.constant 2 : i32
        %add3A_91 = arith.addi %mul3A_43, %add3A_90 : i32
        %add3A_92 = arith.constant 0 : i32
        %add3A_93 = arith.addi %add3A_91, %add3A_92 : i32
        %mul3A_94 = arith.constant 128 : i32
        %mul3A_95 = arith.muli %add3A_93, %mul3A_94 : i32
        %add3A_96 = arith.addi %mul3A_6, %mul3A_95 : i32
        %dma_start3A_97 = tpu.memref_slice %arg3[%add3A_96] : memref<327680xi32, #tpu.memory_space<hbm>> -> memref<128xi32, #tpu.memory_space<hbm>>
        %dma_start3A_98 = tpu.memref_slice %arg3[%add3A_96] : memref<327680xi32, #tpu.memory_space<hbm>> -> memref<128xi32, #tpu.memory_space<hbm>>
        tpu.enqueue_dma source(%dma_start3A_98 : memref<128xi32, #tpu.memory_space<hbm>>) target(%arg8 : memref<128xi32, #tpu.memory_space<vmem>>) target_semaphore(%arg17 : memref<!tpu.dma_semaphore, #tpu.memory_space<semaphore_mem>>)
        %add3A_99 = arith.constant 2 : i32
        %add3A_100 = arith.addi %mul3A_43, %add3A_99 : i32
        %add3A_101 = arith.constant 0 : i32
        %add3A_102 = arith.addi %add3A_100, %add3A_101 : i32
        %mul3A_103 = arith.constant 128 : i32
        %mul3A_104 = arith.muli %add3A_102, %mul3A_103 : i32
        %dma_start3A_105 = tpu.memref_slice %arg7[%mul3A_104] : memref<15872xi32, #tpu.memory_space<vmem>> -> memref<128xi32, #tpu.memory_space<vmem>>
        %dma_start3A_106 = arith.constant 0 : i32
        %dma_start3A_107 = arith.constant 0 : i32
        %dma_start3A_108 = tpu.memref_slice %arg4[%dma_start3A_106, %dma_start3A_107] : memref<10240x128xf32, #tpu.memory_space<hbm>> -> memref<10240x128xf32, #tpu.memory_space<hbm>>
        tpu.enqueue_indirect_dma source(%dma_start3A_108 : memref<10240x128xf32, #tpu.memory_space<hbm>>) target(%arg10 : memref<128x128xf32, #tpu.memory_space<vmem>>) offsets(%dma_start3A_105 : memref<128xi32, #tpu.memory_space<vmem>>) semaphore(%arg13 : memref<!tpu.dma_semaphore, #tpu.memory_space<semaphore_mem>>)
      } else {
      }
      %dma_wait3A_81 = arith.constant 0 : i32
      %dma_wait3A_82 = arith.constant 0 : i32
      %dma_wait3A_83 = tpu.memref_slice %arg12[%dma_wait3A_81, %dma_wait3A_82] : memref<10240x128xf32, #tpu.memory_space<vmem_shared>> -> memref<10240x128xf32, #tpu.memory_space<vmem_shared>>
      tpu.wait_indirect_dma semaphore(%arg16 : memref<!tpu.dma_semaphore, #tpu.memory_space<semaphore_mem>>) src(%arg11 : memref<128x128xf32, #tpu.memory_space<vmem>>) dst(%dma_wait3A_83 : memref<10240x128xf32, #tpu.memory_space<vmem_shared>>)
      %sub3A_84 = arith.constant 1 : i32
      %sub3A_85 = arith.subi %select_n3A_8, %sub3A_84 : i32
      %lt3A_86 = arith.cmpi slt, %while3A_41, %sub3A_85 : i32
      %convert_element_type3A_87 = arith.extui %lt3A_86 : i1 to i32
      %cond3A_88 = arith.constant 0 : i32
      %cond3A_89 = arith.cmpi ne, %convert_element_type3A_87, %cond3A_88 : i32
      scf.if %cond3A_89 {
        %add3A_90 = arith.constant 2 : i32
        %add3A_91 = arith.addi %mul3A_43, %add3A_90 : i32
        %add3A_92 = arith.constant 1 : i32
        %add3A_93 = arith.addi %add3A_91, %add3A_92 : i32
        %mul3A_94 = arith.constant 128 : i32
        %mul3A_95 = arith.muli %add3A_93, %mul3A_94 : i32
        %add3A_96 = arith.addi %mul3A_6, %mul3A_95 : i32
        %dma_start3A_97 = tpu.memref_slice %arg3[%add3A_96] : memref<327680xi32, #tpu.memory_space<hbm>> -> memref<128xi32, #tpu.memory_space<hbm>>
        %dma_start3A_98 = tpu.memref_slice %arg3[%add3A_96] : memref<327680xi32, #tpu.memory_space<hbm>> -> memref<128xi32, #tpu.memory_space<hbm>>
        tpu.enqueue_dma source(%dma_start3A_98 : memref<128xi32, #tpu.memory_space<hbm>>) target(%arg9 : memref<128xi32, #tpu.memory_space<vmem>>) target_semaphore(%arg18 : memref<!tpu.dma_semaphore, #tpu.memory_space<semaphore_mem>>)
        %add3A_99 = arith.constant 2 : i32
        %add3A_100 = arith.addi %mul3A_43, %add3A_99 : i32
        %add3A_101 = arith.constant 1 : i32
        %add3A_102 = arith.addi %add3A_100, %add3A_101 : i32
        %mul3A_103 = arith.constant 128 : i32
        %mul3A_104 = arith.muli %add3A_102, %mul3A_103 : i32
        %dma_start3A_105 = tpu.memref_slice %arg7[%mul3A_104] : memref<15872xi32, #tpu.memory_space<vmem>> -> memref<128xi32, #tpu.memory_space<vmem>>
        %dma_start3A_106 = arith.constant 0 : i32
        %dma_start3A_107 = arith.constant 0 : i32
        %dma_start3A_108 = tpu.memref_slice %arg4[%dma_start3A_106, %dma_start3A_107] : memref<10240x128xf32, #tpu.memory_space<hbm>> -> memref<10240x128xf32, #tpu.memory_space<hbm>>
        tpu.enqueue_indirect_dma source(%dma_start3A_108 : memref<10240x128xf32, #tpu.memory_space<hbm>>) target(%arg11 : memref<128x128xf32, #tpu.memory_space<vmem>>) offsets(%dma_start3A_105 : memref<128xi32, #tpu.memory_space<vmem>>) semaphore(%arg14 : memref<!tpu.dma_semaphore, #tpu.memory_space<semaphore_mem>>)
      } else {
      }
    }
    %barrier3A_40 = arith.constant 0 : index
    tpu.barrier barrier_id(%barrier3A_40)
    "tpu.region"() ({
      %run_scoped3A = tpu.sem_alloc : memref<!tpu.dma_semaphore, #tpu.memory_space<semaphore_mem>>
      %dma_start3A_41 = arith.constant 0 : i32
      %dma_start3A_42 = tpu.memref_slice %arg6[%arg0, %mul3A_11, %dma_start3A_41] : memref<2x10240x128xf32, #tpu.memory_space<hbm>> -> memref<1x640x128xf32, #tpu.memory_space<hbm>>
      %dma_start3A_43 = tpu.memref_squeeze %dma_start3A_42 : memref<1x640x128xf32, #tpu.memory_space<hbm>> -> memref<640x128xf32, #tpu.memory_space<hbm>>
      %dma_start3A_44 = arith.constant 0 : i32
      %dma_start3A_45 = tpu.memref_slice %arg12[%mul3A_11, %dma_start3A_44] : memref<10240x128xf32, #tpu.memory_space<vmem_shared>> -> memref<640x128xf32, #tpu.memory_space<vmem_shared>>
      tpu.enqueue_dma source(%dma_start3A_45 : memref<640x128xf32, #tpu.memory_space<vmem_shared>>) target(%dma_start3A_43 : memref<640x128xf32, #tpu.memory_space<hbm>>) target_semaphore(%run_scoped3A : memref<!tpu.dma_semaphore, #tpu.memory_space<semaphore_mem>>)
      %dma_wait3A_46 = arith.constant 0 : i32
      %dma_wait3A_47 = tpu.memref_slice %arg6[%arg0, %mul3A_11, %dma_wait3A_46] : memref<2x10240x128xf32, #tpu.memory_space<hbm>> -> memref<1x640x128xf32, #tpu.memory_space<hbm>>
      %dma_wait3A_48 = tpu.memref_squeeze %dma_wait3A_47 : memref<1x640x128xf32, #tpu.memory_space<hbm>> -> memref<640x128xf32, #tpu.memory_space<hbm>>
      %dma_wait3A_49 = arith.constant 0 : i32
      %dma_wait3A_50 = tpu.memref_slice %arg12[%mul3A_11, %dma_wait3A_49] : memref<10240x128xf32, #tpu.memory_space<vmem_shared>> -> memref<640x128xf32, #tpu.memory_space<vmem_shared>>
      tpu.wait_dma2 semaphore(%run_scoped3A : memref<!tpu.dma_semaphore, #tpu.memory_space<semaphore_mem>>) src(%dma_wait3A_50 : memref<640x128xf32, #tpu.memory_space<vmem_shared>>) dst(%dma_wait3A_48 : memref<640x128xf32, #tpu.memory_space<hbm>>)
      tpu.yield
    }) : () -> ()
    return
  }
}

#map = affine_map<(d0, d1) -> (0)>
#map1 = affine_map<(d0, d1) -> (0, 0)>
#map2 = affine_map<(d0, d1) -> (0, 0, 0)>
module attributes {stable_mosaic.version = 14 : i64} {
  func.func @deg_kernel(%arg0: i32, %arg1: i32, %arg2: memref<327680xi32, #tpu.memory_space<hbm>>, %arg3: memref<128x128xf32, #tpu.memory_space<hbm>>, %arg4: memref<10240x128xf32, #tpu.memory_space<hbm>>, %arg5: memref<2x10240x128xf32, #tpu.memory_space<hbm>>, %arg6: memref<128xi32, #tpu.memory_space<vmem>>, %arg7: memref<128x128xf32, #tpu.memory_space<vmem>>, %arg8: memref<10240x128xf32, #tpu.memory_space<vmem_shared>>, %arg9: memref<!tpu.dma_semaphore, #tpu.memory_space<semaphore_mem>>) attributes {dimension_semantics = [#tpu.dimension_semantics<core_parallel>, #tpu.dimension_semantics<subcore_parallel>], iteration_bounds = array<i64: 2, 16>, scalar_prefetch = 0 : i64, scratch_operands = 4 : i64, tpu.core_type = #tpu.core_type<sc_vector_subcore>, window_params = [{transform_indices = #map}, {transform_indices = #map1}, {transform_indices = #map1}, {transform_indices = #map2}]} {
    %mul3A = arith.constant 2 : i32
    %mul3A_0 = arith.muli %arg1, %mul3A : i32
    %add3A = arith.addi %mul3A_0, %arg0 : i32
    %mul3A_1 = arith.constant 80 : i32
    %mul3A_2 = arith.muli %add3A, %mul3A_1 : i32
    %mul3A_3 = arith.constant 128 : i32
    %mul3A_4 = arith.muli %mul3A_2, %mul3A_3 : i32
    tpu.enqueue_dma source(%arg3 : memref<128x128xf32, #tpu.memory_space<hbm>>) target(%arg7 : memref<128x128xf32, #tpu.memory_space<vmem>>) target_semaphore(%arg9 : memref<!tpu.dma_semaphore, #tpu.memory_space<semaphore_mem>>)
    %mul3A_5 = arith.constant 640 : i32
    %mul3A_6 = arith.muli %arg1, %mul3A_5 : i32
    "tpu.region"() ({
      %run_scoped3A = tpu.sem_alloc : memref<!tpu.dma_semaphore, #tpu.memory_space<semaphore_mem>>
      %dma_start3A = arith.constant 0 : i32
      %dma_start3A_13 = tpu.memref_slice %arg8[%mul3A_6, %dma_start3A] : memref<10240x128xf32, #tpu.memory_space<vmem_shared>> -> memref<640x128xf32, #tpu.memory_space<vmem_shared>>
      %dma_start3A_14 = arith.constant 0 : i32
      %dma_start3A_15 = tpu.memref_slice %arg4[%mul3A_6, %dma_start3A_14] : memref<10240x128xf32, #tpu.memory_space<hbm>> -> memref<640x128xf32, #tpu.memory_space<hbm>>
      tpu.enqueue_dma source(%dma_start3A_15 : memref<640x128xf32, #tpu.memory_space<hbm>>) target(%dma_start3A_13 : memref<640x128xf32, #tpu.memory_space<vmem_shared>>) target_semaphore(%run_scoped3A : memref<!tpu.dma_semaphore, #tpu.memory_space<semaphore_mem>>)
      %dma_wait3A = arith.constant 0 : i32
      %dma_wait3A_16 = tpu.memref_slice %arg8[%mul3A_6, %dma_wait3A] : memref<10240x128xf32, #tpu.memory_space<vmem_shared>> -> memref<640x128xf32, #tpu.memory_space<vmem_shared>>
      %dma_wait3A_17 = arith.constant 0 : i32
      %dma_wait3A_18 = tpu.memref_slice %arg4[%mul3A_6, %dma_wait3A_17] : memref<10240x128xf32, #tpu.memory_space<hbm>> -> memref<640x128xf32, #tpu.memory_space<hbm>>
      tpu.wait_dma2 semaphore(%run_scoped3A : memref<!tpu.dma_semaphore, #tpu.memory_space<semaphore_mem>>) src(%dma_wait3A_18 : memref<640x128xf32, #tpu.memory_space<hbm>>) dst(%dma_wait3A_16 : memref<640x128xf32, #tpu.memory_space<vmem_shared>>)
      tpu.yield
    }) : () -> ()
    tpu.wait_dma2 semaphore(%arg9 : memref<!tpu.dma_semaphore, #tpu.memory_space<semaphore_mem>>) src(%arg3 : memref<128x128xf32, #tpu.memory_space<hbm>>) dst(%arg7 : memref<128x128xf32, #tpu.memory_space<vmem>>)
    %barrier3A = arith.constant 0 : index
    tpu.barrier barrier_id(%barrier3A)
    %scan3A = arith.constant 0 : i32
    %scan3A_7 = arith.constant 0 : i32
    %scan3A_8 = arith.constant 80 : i32
    %scan3A_9 = arith.addi %scan3A_7, %scan3A_8 : i32
    %scan3A_10 = arith.constant 1 : i32
    scf.for %scan3A_13 = %scan3A_7 to %scan3A_9 step %scan3A_10  : i32 {
      %mul3A_14 = arith.constant 128 : i32
      %mul3A_15 = arith.muli %scan3A_13, %mul3A_14 : i32
      %add3A_16 = arith.addi %mul3A_4, %mul3A_15 : i32
      "tpu.region"() ({
        %run_scoped3A = tpu.sem_alloc : memref<!tpu.dma_semaphore, #tpu.memory_space<semaphore_mem>>
        %dma_start3A = tpu.memref_slice %arg2[%add3A_16] : memref<327680xi32, #tpu.memory_space<hbm>> -> memref<128xi32, #tpu.memory_space<hbm>>
        %dma_start3A_17 = tpu.memref_slice %arg2[%add3A_16] : memref<327680xi32, #tpu.memory_space<hbm>> -> memref<128xi32, #tpu.memory_space<hbm>>
        tpu.enqueue_dma source(%dma_start3A_17 : memref<128xi32, #tpu.memory_space<hbm>>) target(%arg6 : memref<128xi32, #tpu.memory_space<vmem>>) target_semaphore(%run_scoped3A : memref<!tpu.dma_semaphore, #tpu.memory_space<semaphore_mem>>)
        %dma_wait3A = tpu.memref_slice %arg2[%add3A_16] : memref<327680xi32, #tpu.memory_space<hbm>> -> memref<128xi32, #tpu.memory_space<hbm>>
        %dma_wait3A_18 = tpu.memref_slice %arg2[%add3A_16] : memref<327680xi32, #tpu.memory_space<hbm>> -> memref<128xi32, #tpu.memory_space<hbm>>
        tpu.wait_dma2 semaphore(%run_scoped3A : memref<!tpu.dma_semaphore, #tpu.memory_space<semaphore_mem>>) src(%dma_wait3A_18 : memref<128xi32, #tpu.memory_space<hbm>>) dst(%arg6 : memref<128xi32, #tpu.memory_space<vmem>>)
        tpu.yield
      }) : () -> ()
      "tpu.region"() ({
        %run_scoped3A = tpu.sem_alloc : memref<!tpu.dma_semaphore, #tpu.memory_space<semaphore_mem>>
        %dma_start3A = arith.constant 0 : i32
        %dma_start3A_17 = arith.constant 0 : i32
        %dma_start3A_18 = tpu.memref_slice %arg8[%dma_start3A, %dma_start3A_17] : memref<10240x128xf32, #tpu.memory_space<vmem_shared>> -> memref<10240x128xf32, #tpu.memory_space<vmem_shared>>
        tpu.enqueue_indirect_dma source(%arg7 : memref<128x128xf32, #tpu.memory_space<vmem>>) target(%dma_start3A_18 : memref<10240x128xf32, #tpu.memory_space<vmem_shared>>) offsets(%arg6 : memref<128xi32, #tpu.memory_space<vmem>>) semaphore(%run_scoped3A : memref<!tpu.dma_semaphore, #tpu.memory_space<semaphore_mem>>) {add = true}
        %dma_wait3A = arith.constant 0 : i32
        %dma_wait3A_19 = arith.constant 0 : i32
        %dma_wait3A_20 = tpu.memref_slice %arg8[%dma_wait3A, %dma_wait3A_19] : memref<10240x128xf32, #tpu.memory_space<vmem_shared>> -> memref<10240x128xf32, #tpu.memory_space<vmem_shared>>
        tpu.wait_indirect_dma semaphore(%run_scoped3A : memref<!tpu.dma_semaphore, #tpu.memory_space<semaphore_mem>>) src(%arg7 : memref<128x128xf32, #tpu.memory_space<vmem>>) dst(%dma_wait3A_20 : memref<10240x128xf32, #tpu.memory_space<vmem_shared>>)
        tpu.yield
      }) : () -> ()
    }
    %scan3A_11 = arith.constant 80 : i32
    %barrier3A_12 = arith.constant 0 : index
    tpu.barrier barrier_id(%barrier3A_12)
    "tpu.region"() ({
      %run_scoped3A = tpu.sem_alloc : memref<!tpu.dma_semaphore, #tpu.memory_space<semaphore_mem>>
      %dma_start3A = arith.constant 0 : i32
      %dma_start3A_13 = tpu.memref_slice %arg5[%arg0, %mul3A_6, %dma_start3A] : memref<2x10240x128xf32, #tpu.memory_space<hbm>> -> memref<1x640x128xf32, #tpu.memory_space<hbm>>
      %dma_start3A_14 = tpu.memref_squeeze %dma_start3A_13 : memref<1x640x128xf32, #tpu.memory_space<hbm>> -> memref<640x128xf32, #tpu.memory_space<hbm>>
      %dma_start3A_15 = arith.constant 0 : i32
      %dma_start3A_16 = tpu.memref_slice %arg8[%mul3A_6, %dma_start3A_15] : memref<10240x128xf32, #tpu.memory_space<vmem_shared>> -> memref<640x128xf32, #tpu.memory_space<vmem_shared>>
      tpu.enqueue_dma source(%dma_start3A_16 : memref<640x128xf32, #tpu.memory_space<vmem_shared>>) target(%dma_start3A_14 : memref<640x128xf32, #tpu.memory_space<hbm>>) target_semaphore(%run_scoped3A : memref<!tpu.dma_semaphore, #tpu.memory_space<semaphore_mem>>)
      %dma_wait3A = arith.constant 0 : i32
      %dma_wait3A_17 = tpu.memref_slice %arg5[%arg0, %mul3A_6, %dma_wait3A] : memref<2x10240x128xf32, #tpu.memory_space<hbm>> -> memref<1x640x128xf32, #tpu.memory_space<hbm>>
      %dma_wait3A_18 = tpu.memref_squeeze %dma_wait3A_17 : memref<1x640x128xf32, #tpu.memory_space<hbm>> -> memref<640x128xf32, #tpu.memory_space<hbm>>
      %dma_wait3A_19 = arith.constant 0 : i32
      %dma_wait3A_20 = tpu.memref_slice %arg8[%mul3A_6, %dma_wait3A_19] : memref<10240x128xf32, #tpu.memory_space<vmem_shared>> -> memref<640x128xf32, #tpu.memory_space<vmem_shared>>
      tpu.wait_dma2 semaphore(%run_scoped3A : memref<!tpu.dma_semaphore, #tpu.memory_space<semaphore_mem>>) src(%dma_wait3A_20 : memref<640x128xf32, #tpu.memory_space<vmem_shared>>) dst(%dma_wait3A_18 : memref<640x128xf32, #tpu.memory_space<hbm>>)
      tpu.yield
    }) : () -> ()
    return
  }
}

#map = affine_map<(d0, d1) -> (0)>
#map1 = affine_map<(d0, d1) -> (0, 0)>
#map2 = affine_map<(d0, d1) -> (0, 0, 0)>
module attributes {stable_mosaic.version = 14 : i64} {
  func.func @agg_kernel(%arg0: i32, %arg1: i32, %arg2: memref<327680xi32, #tpu.memory_space<hbm>>, %arg3: memref<327680xi32, #tpu.memory_space<hbm>>, %arg4: memref<10240x128xf32, #tpu.memory_space<hbm>>, %arg5: memref<10240x128xf32, #tpu.memory_space<hbm>>, %arg6: memref<2x10240x128xf32, #tpu.memory_space<hbm>>, %arg7: memref<15872xi32, #tpu.memory_space<vmem>>, %arg8: memref<128xi32, #tpu.memory_space<vmem>>, %arg9: memref<128xi32, #tpu.memory_space<vmem>>, %arg10: memref<128x128xf32, #tpu.memory_space<vmem>>, %arg11: memref<128x128xf32, #tpu.memory_space<vmem>>, %arg12: memref<10240x128xf32, #tpu.memory_space<vmem_shared>>, %arg13: memref<!tpu.dma_semaphore, #tpu.memory_space<semaphore_mem>>, %arg14: memref<!tpu.dma_semaphore, #tpu.memory_space<semaphore_mem>>, %arg15: memref<!tpu.dma_semaphore, #tpu.memory_space<semaphore_mem>>, %arg16: memref<!tpu.dma_semaphore, #tpu.memory_space<semaphore_mem>>, %arg17: memref<!tpu.dma_semaphore, #tpu.memory_space<semaphore_mem>>, %arg18: memref<!tpu.dma_semaphore, #tpu.memory_space<semaphore_mem>>) attributes {dimension_semantics = [#tpu.dimension_semantics<core_parallel>, #tpu.dimension_semantics<subcore_parallel>], iteration_bounds = array<i64: 2, 16>, scalar_prefetch = 0 : i64, scratch_operands = 12 : i64, tpu.core_type = #tpu.core_type<sc_vector_subcore>, window_params = [{transform_indices = #map}, {transform_indices = #map}, {transform_indices = #map1}, {transform_indices = #map1}, {transform_indices = #map2}]} {
    %eq3A = arith.constant 0 : i32
    %eq3A_0 = arith.cmpi eq, %arg0, %eq3A : i32
    %mul3A = arith.constant 124 : i32
    %mul3A_1 = arith.muli %arg1, %mul3A : i32
    %mul3A_2 = arith.constant 36 : i32
    %mul3A_3 = arith.muli %arg1, %mul3A_2 : i32
    %add3A = arith.constant 1984 : i32
    %add3A_4 = arith.addi %add3A, %mul3A_3 : i32
    %select_n3A = arith.select %eq3A_0, %mul3A_1, %add3A_4 : i32
    %mul3A_5 = arith.constant 128 : i32
    %mul3A_6 = arith.muli %select_n3A, %mul3A_5 : i32
    %jit3A = arith.constant 62 : i32
    %jit3A_7 = arith.constant 18 : i32
    %select_n3A_8 = arith.select %eq3A_0, %jit3A, %jit3A_7 : i32
    %dma_start3A = tpu.memref_slice %arg2[%mul3A_6] : memref<327680xi32, #tpu.memory_space<hbm>> -> memref<15872xi32, #tpu.memory_space<hbm>>
    %dma_start3A_9 = tpu.memref_slice %arg2[%mul3A_6] : memref<327680xi32, #tpu.memory_space<hbm>> -> memref<15872xi32, #tpu.memory_space<hbm>>
    tpu.enqueue_dma source(%dma_start3A_9 : memref<15872xi32, #tpu.memory_space<hbm>>) target(%arg7 : memref<15872xi32, #tpu.memory_space<vmem>>) target_semaphore(%arg13 : memref<!tpu.dma_semaphore, #tpu.memory_space<semaphore_mem>>)
    %mul3A_10 = arith.constant 640 : i32
    %mul3A_11 = arith.muli %arg1, %mul3A_10 : i32
    "tpu.region"() ({
      %run_scoped3A = tpu.sem_alloc : memref<!tpu.dma_semaphore, #tpu.memory_space<semaphore_mem>>
      %dma_start3A_41 = arith.constant 0 : i32
      %dma_start3A_42 = tpu.memref_slice %arg12[%mul3A_11, %dma_start3A_41] : memref<10240x128xf32, #tpu.memory_space<vmem_shared>> -> memref<640x128xf32, #tpu.memory_space<vmem_shared>>
      %dma_start3A_43 = arith.constant 0 : i32
      %dma_start3A_44 = tpu.memref_slice %arg5[%mul3A_11, %dma_start3A_43] : memref<10240x128xf32, #tpu.memory_space<hbm>> -> memref<640x128xf32, #tpu.memory_space<hbm>>
      tpu.enqueue_dma source(%dma_start3A_44 : memref<640x128xf32, #tpu.memory_space<hbm>>) target(%dma_start3A_42 : memref<640x128xf32, #tpu.memory_space<vmem_shared>>) target_semaphore(%run_scoped3A : memref<!tpu.dma_semaphore, #tpu.memory_space<semaphore_mem>>)
      %dma_wait3A_45 = arith.constant 0 : i32
      %dma_wait3A_46 = tpu.memref_slice %arg12[%mul3A_11, %dma_wait3A_45] : memref<10240x128xf32, #tpu.memory_space<vmem_shared>> -> memref<640x128xf32, #tpu.memory_space<vmem_shared>>
      %dma_wait3A_47 = arith.constant 0 : i32
      %dma_wait3A_48 = tpu.memref_slice %arg5[%mul3A_11, %dma_wait3A_47] : memref<10240x128xf32, #tpu.memory_space<hbm>> -> memref<640x128xf32, #tpu.memory_space<hbm>>
      tpu.wait_dma2 semaphore(%run_scoped3A : memref<!tpu.dma_semaphore, #tpu.memory_space<semaphore_mem>>) src(%dma_wait3A_48 : memref<640x128xf32, #tpu.memory_space<hbm>>) dst(%dma_wait3A_46 : memref<640x128xf32, #tpu.memory_space<vmem_shared>>)
      tpu.yield
    }) : () -> ()
    %dma_wait3A = tpu.memref_slice %arg2[%mul3A_6] : memref<327680xi32, #tpu.memory_space<hbm>> -> memref<15872xi32, #tpu.memory_space<hbm>>
    %dma_wait3A_12 = tpu.memref_slice %arg2[%mul3A_6] : memref<327680xi32, #tpu.memory_space<hbm>> -> memref<15872xi32, #tpu.memory_space<hbm>>
    tpu.wait_dma2 semaphore(%arg13 : memref<!tpu.dma_semaphore, #tpu.memory_space<semaphore_mem>>) src(%dma_wait3A_12 : memref<15872xi32, #tpu.memory_space<hbm>>) dst(%arg7 : memref<15872xi32, #tpu.memory_space<vmem>>)
    %barrier3A = arith.constant 0 : index
    tpu.barrier barrier_id(%barrier3A)
    %add3A_13 = arith.constant 0 : i32
    %add3A_14 = arith.addi %mul3A_6, %add3A_13 : i32
    %dma_start3A_15 = tpu.memref_slice %arg3[%add3A_14] : memref<327680xi32, #tpu.memory_space<hbm>> -> memref<128xi32, #tpu.memory_space<hbm>>
    %dma_start3A_16 = tpu.memref_slice %arg3[%add3A_14] : memref<327680xi32, #tpu.memory_space<hbm>> -> memref<128xi32, #tpu.memory_space<hbm>>
    tpu.enqueue_dma source(%dma_start3A_16 : memref<128xi32, #tpu.memory_space<hbm>>) target(%arg8 : memref<128xi32, #tpu.memory_space<vmem>>) target_semaphore(%arg17 : memref<!tpu.dma_semaphore, #tpu.memory_space<semaphore_mem>>)
    %dma_start3A_17 = arith.constant 0 : i32
    %dma_start3A_18 = tpu.memref_slice %arg7[%dma_start3A_17] : memref<15872xi32, #tpu.memory_space<vmem>> -> memref<128xi32, #tpu.memory_space<vmem>>
    %dma_start3A_19 = arith.constant 0 : i32
    %dma_start3A_20 = arith.constant 0 : i32
    %dma_start3A_21 = tpu.memref_slice %arg4[%dma_start3A_19, %dma_start3A_20] : memref<10240x128xf32, #tpu.memory_space<hbm>> -> memref<10240x128xf32, #tpu.memory_space<hbm>>
    tpu.enqueue_indirect_dma source(%dma_start3A_21 : memref<10240x128xf32, #tpu.memory_space<hbm>>) target(%arg10 : memref<128x128xf32, #tpu.memory_space<vmem>>) offsets(%dma_start3A_18 : memref<128xi32, #tpu.memory_space<vmem>>) semaphore(%arg13 : memref<!tpu.dma_semaphore, #tpu.memory_space<semaphore_mem>>)
    %add3A_22 = arith.constant 128 : i32
    %add3A_23 = arith.addi %mul3A_6, %add3A_22 : i32
    %dma_start3A_24 = tpu.memref_slice %arg3[%add3A_23] : memref<327680xi32, #tpu.memory_space<hbm>> -> memref<128xi32, #tpu.memory_space<hbm>>
    %dma_start3A_25 = tpu.memref_slice %arg3[%add3A_23] : memref<327680xi32, #tpu.memory_space<hbm>> -> memref<128xi32, #tpu.memory_space<hbm>>
    tpu.enqueue_dma source(%dma_start3A_25 : memref<128xi32, #tpu.memory_space<hbm>>) target(%arg9 : memref<128xi32, #tpu.memory_space<vmem>>) target_semaphore(%arg18 : memref<!tpu.dma_semaphore, #tpu.memory_space<semaphore_mem>>)
    %dma_start3A_26 = arith.constant 128 : i32
    %dma_start3A_27 = tpu.memref_slice %arg7[%dma_start3A_26] : memref<15872xi32, #tpu.memory_space<vmem>> -> memref<128xi32, #tpu.memory_space<vmem>>
    %dma_start3A_28 = arith.constant 0 : i32
    %dma_start3A_29 = arith.constant 0 : i32
    %dma_start3A_30 = tpu.memref_slice %arg4[%dma_start3A_28, %dma_start3A_29] : memref<10240x128xf32, #tpu.memory_space<hbm>> -> memref<10240x128xf32, #tpu.memory_space<hbm>>
    tpu.enqueue_indirect_dma source(%dma_start3A_30 : memref<10240x128xf32, #tpu.memory_space<hbm>>) target(%arg11 : memref<128x128xf32, #tpu.memory_space<vmem>>) offsets(%dma_start3A_27 : memref<128xi32, #tpu.memory_space<vmem>>) semaphore(%arg14 : memref<!tpu.dma_semaphore, #tpu.memory_space<semaphore_mem>>)
    %while3A = arith.constant 0 : i32
    %while3A_31 = arith.constant 0 : i32
    %while3A_32 = arith.subi %select_n3A_8, %while3A_31 : i32
    %while3A_33 = arith.addi %while3A_31, %while3A_32 : i32
    %while3A_34 = arith.constant 1 : i32
    %while3A_35 = arith.divsi %while3A_32, %while3A_34 : i32
    %while3A_36 = arith.muli %while3A_35, %while3A_34 : i32
    %while3A_37 = arith.addi %while3A_31, %while3A_36 : i32
    %while3A_38 = arith.constant 1 : i32
    scf.for %while3A_41 = %while3A_31 to %while3A_37 step %while3A_38  : i32 {
      %mul3A_42 = arith.constant 2 : i32
      %mul3A_43 = arith.muli %while3A_41, %mul3A_42 : i32
      %add3A_44 = arith.constant 0 : i32
      %add3A_45 = arith.addi %mul3A_43, %add3A_44 : i32
      %mul3A_46 = arith.constant 128 : i32
      %mul3A_47 = arith.muli %add3A_45, %mul3A_46 : i32
      %dma_wait3A_48 = tpu.memref_slice %arg7[%mul3A_47] : memref<15872xi32, #tpu.memory_space<vmem>> -> memref<128xi32, #tpu.memory_space<vmem>>
      %dma_wait3A_49 = arith.constant 0 : i32
      %dma_wait3A_50 = arith.constant 0 : i32
      %dma_wait3A_51 = tpu.memref_slice %arg4[%dma_wait3A_49, %dma_wait3A_50] : memref<10240x128xf32, #tpu.memory_space<hbm>> -> memref<10240x128xf32, #tpu.memory_space<hbm>>
      tpu.wait_indirect_dma semaphore(%arg13 : memref<!tpu.dma_semaphore, #tpu.memory_space<semaphore_mem>>) src(%dma_wait3A_51 : memref<10240x128xf32, #tpu.memory_space<hbm>>) dst(%arg10 : memref<128x128xf32, #tpu.memory_space<vmem>>)
      %mul3A_52 = arith.constant 128 : i32
      %mul3A_53 = arith.muli %add3A_45, %mul3A_52 : i32
      %add3A_54 = arith.addi %mul3A_6, %mul3A_53 : i32
      %dma_wait3A_55 = tpu.memref_slice %arg3[%add3A_54] : memref<327680xi32, #tpu.memory_space<hbm>> -> memref<128xi32, #tpu.memory_space<hbm>>
      %dma_wait3A_56 = tpu.memref_slice %arg3[%add3A_54] : memref<327680xi32, #tpu.memory_space<hbm>> -> memref<128xi32, #tpu.memory_space<hbm>>
      tpu.wait_dma2 semaphore(%arg17 : memref<!tpu.dma_semaphore, #tpu.memory_space<semaphore_mem>>) src(%dma_wait3A_56 : memref<128xi32, #tpu.memory_space<hbm>>) dst(%arg8 : memref<128xi32, #tpu.memory_space<vmem>>)
      %dma_start3A_57 = arith.constant 0 : i32
      %dma_start3A_58 = arith.constant 0 : i32
      %dma_start3A_59 = tpu.memref_slice %arg12[%dma_start3A_57, %dma_start3A_58] : memref<10240x128xf32, #tpu.memory_space<vmem_shared>> -> memref<10240x128xf32, #tpu.memory_space<vmem_shared>>
      tpu.enqueue_indirect_dma source(%arg10 : memref<128x128xf32, #tpu.memory_space<vmem>>) target(%dma_start3A_59 : memref<10240x128xf32, #tpu.memory_space<vmem_shared>>) offsets(%arg8 : memref<128xi32, #tpu.memory_space<vmem>>) semaphore(%arg15 : memref<!tpu.dma_semaphore, #tpu.memory_space<semaphore_mem>>) {add = true}
      %add3A_60 = arith.constant 1 : i32
      %add3A_61 = arith.addi %mul3A_43, %add3A_60 : i32
      %mul3A_62 = arith.constant 128 : i32
      %mul3A_63 = arith.muli %add3A_61, %mul3A_62 : i32
      %dma_wait3A_64 = tpu.memref_slice %arg7[%mul3A_63] : memref<15872xi32, #tpu.memory_space<vmem>> -> memref<128xi32, #tpu.memory_space<vmem>>
      %dma_wait3A_65 = arith.constant 0 : i32
      %dma_wait3A_66 = arith.constant 0 : i32
      %dma_wait3A_67 = tpu.memref_slice %arg4[%dma_wait3A_65, %dma_wait3A_66] : memref<10240x128xf32, #tpu.memory_space<hbm>> -> memref<10240x128xf32, #tpu.memory_space<hbm>>
      tpu.wait_indirect_dma semaphore(%arg14 : memref<!tpu.dma_semaphore, #tpu.memory_space<semaphore_mem>>) src(%dma_wait3A_67 : memref<10240x128xf32, #tpu.memory_space<hbm>>) dst(%arg11 : memref<128x128xf32, #tpu.memory_space<vmem>>)
      %mul3A_68 = arith.constant 128 : i32
      %mul3A_69 = arith.muli %add3A_61, %mul3A_68 : i32
      %add3A_70 = arith.addi %mul3A_6, %mul3A_69 : i32
      %dma_wait3A_71 = tpu.memref_slice %arg3[%add3A_70] : memref<327680xi32, #tpu.memory_space<hbm>> -> memref<128xi32, #tpu.memory_space<hbm>>
      %dma_wait3A_72 = tpu.memref_slice %arg3[%add3A_70] : memref<327680xi32, #tpu.memory_space<hbm>> -> memref<128xi32, #tpu.memory_space<hbm>>
      tpu.wait_dma2 semaphore(%arg18 : memref<!tpu.dma_semaphore, #tpu.memory_space<semaphore_mem>>) src(%dma_wait3A_72 : memref<128xi32, #tpu.memory_space<hbm>>) dst(%arg9 : memref<128xi32, #tpu.memory_space<vmem>>)
      %dma_start3A_73 = arith.constant 0 : i32
      %dma_start3A_74 = arith.constant 0 : i32
      %dma_start3A_75 = tpu.memref_slice %arg12[%dma_start3A_73, %dma_start3A_74] : memref<10240x128xf32, #tpu.memory_space<vmem_shared>> -> memref<10240x128xf32, #tpu.memory_space<vmem_shared>>
      tpu.enqueue_indirect_dma source(%arg11 : memref<128x128xf32, #tpu.memory_space<vmem>>) target(%dma_start3A_75 : memref<10240x128xf32, #tpu.memory_space<vmem_shared>>) offsets(%arg9 : memref<128xi32, #tpu.memory_space<vmem>>) semaphore(%arg16 : memref<!tpu.dma_semaphore, #tpu.memory_space<semaphore_mem>>) {add = true}
      %dma_wait3A_76 = arith.constant 0 : i32
      %dma_wait3A_77 = arith.constant 0 : i32
      %dma_wait3A_78 = tpu.memref_slice %arg12[%dma_wait3A_76, %dma_wait3A_77] : memref<10240x128xf32, #tpu.memory_space<vmem_shared>> -> memref<10240x128xf32, #tpu.memory_space<vmem_shared>>
      tpu.wait_indirect_dma semaphore(%arg15 : memref<!tpu.dma_semaphore, #tpu.memory_space<semaphore_mem>>) src(%arg10 : memref<128x128xf32, #tpu.memory_space<vmem>>) dst(%dma_wait3A_78 : memref<10240x128xf32, #tpu.memory_space<vmem_shared>>)
      %sub3A = arith.constant 1 : i32
      %sub3A_79 = arith.subi %select_n3A_8, %sub3A : i32
      %lt3A = arith.cmpi slt, %while3A_41, %sub3A_79 : i32
      %convert_element_type3A = arith.extui %lt3A : i1 to i32
      %cond3A = arith.constant 0 : i32
      %cond3A_80 = arith.cmpi ne, %convert_element_type3A, %cond3A : i32
      scf.if %cond3A_80 {
        %add3A_90 = arith.constant 2 : i32
        %add3A_91 = arith.addi %mul3A_43, %add3A_90 : i32
        %add3A_92 = arith.constant 0 : i32
        %add3A_93 = arith.addi %add3A_91, %add3A_92 : i32
        %mul3A_94 = arith.constant 128 : i32
        %mul3A_95 = arith.muli %add3A_93, %mul3A_94 : i32
        %add3A_96 = arith.addi %mul3A_6, %mul3A_95 : i32
        %dma_start3A_97 = tpu.memref_slice %arg3[%add3A_96] : memref<327680xi32, #tpu.memory_space<hbm>> -> memref<128xi32, #tpu.memory_space<hbm>>
        %dma_start3A_98 = tpu.memref_slice %arg3[%add3A_96] : memref<327680xi32, #tpu.memory_space<hbm>> -> memref<128xi32, #tpu.memory_space<hbm>>
        tpu.enqueue_dma source(%dma_start3A_98 : memref<128xi32, #tpu.memory_space<hbm>>) target(%arg8 : memref<128xi32, #tpu.memory_space<vmem>>) target_semaphore(%arg17 : memref<!tpu.dma_semaphore, #tpu.memory_space<semaphore_mem>>)
        %add3A_99 = arith.constant 2 : i32
        %add3A_100 = arith.addi %mul3A_43, %add3A_99 : i32
        %add3A_101 = arith.constant 0 : i32
        %add3A_102 = arith.addi %add3A_100, %add3A_101 : i32
        %mul3A_103 = arith.constant 128 : i32
        %mul3A_104 = arith.muli %add3A_102, %mul3A_103 : i32
        %dma_start3A_105 = tpu.memref_slice %arg7[%mul3A_104] : memref<15872xi32, #tpu.memory_space<vmem>> -> memref<128xi32, #tpu.memory_space<vmem>>
        %dma_start3A_106 = arith.constant 0 : i32
        %dma_start3A_107 = arith.constant 0 : i32
        %dma_start3A_108 = tpu.memref_slice %arg4[%dma_start3A_106, %dma_start3A_107] : memref<10240x128xf32, #tpu.memory_space<hbm>> -> memref<10240x128xf32, #tpu.memory_space<hbm>>
        tpu.enqueue_indirect_dma source(%dma_start3A_108 : memref<10240x128xf32, #tpu.memory_space<hbm>>) target(%arg10 : memref<128x128xf32, #tpu.memory_space<vmem>>) offsets(%dma_start3A_105 : memref<128xi32, #tpu.memory_space<vmem>>) semaphore(%arg13 : memref<!tpu.dma_semaphore, #tpu.memory_space<semaphore_mem>>)
      } else {
      }
      %dma_wait3A_81 = arith.constant 0 : i32
      %dma_wait3A_82 = arith.constant 0 : i32
      %dma_wait3A_83 = tpu.memref_slice %arg12[%dma_wait3A_81, %dma_wait3A_82] : memref<10240x128xf32, #tpu.memory_space<vmem_shared>> -> memref<10240x128xf32, #tpu.memory_space<vmem_shared>>
      tpu.wait_indirect_dma semaphore(%arg16 : memref<!tpu.dma_semaphore, #tpu.memory_space<semaphore_mem>>) src(%arg11 : memref<128x128xf32, #tpu.memory_space<vmem>>) dst(%dma_wait3A_83 : memref<10240x128xf32, #tpu.memory_space<vmem_shared>>)
      %sub3A_84 = arith.constant 1 : i32
      %sub3A_85 = arith.subi %select_n3A_8, %sub3A_84 : i32
      %lt3A_86 = arith.cmpi slt, %while3A_41, %sub3A_85 : i32
      %convert_element_type3A_87 = arith.extui %lt3A_86 : i1 to i32
      %cond3A_88 = arith.constant 0 : i32
      %cond3A_89 = arith.cmpi ne, %convert_element_type3A_87, %cond3A_88 : i32
      scf.if %cond3A_89 {
        %add3A_90 = arith.constant 2 : i32
        %add3A_91 = arith.addi %mul3A_43, %add3A_90 : i32
        %add3A_92 = arith.constant 1 : i32
        %add3A_93 = arith.addi %add3A_91, %add3A_92 : i32
        %mul3A_94 = arith.constant 128 : i32
        %mul3A_95 = arith.muli %add3A_93, %mul3A_94 : i32
        %add3A_96 = arith.addi %mul3A_6, %mul3A_95 : i32
        %dma_start3A_97 = tpu.memref_slice %arg3[%add3A_96] : memref<327680xi32, #tpu.memory_space<hbm>> -> memref<128xi32, #tpu.memory_space<hbm>>
        %dma_start3A_98 = tpu.memref_slice %arg3[%add3A_96] : memref<327680xi32, #tpu.memory_space<hbm>> -> memref<128xi32, #tpu.memory_space<hbm>>
        tpu.enqueue_dma source(%dma_start3A_98 : memref<128xi32, #tpu.memory_space<hbm>>) target(%arg9 : memref<128xi32, #tpu.memory_space<vmem>>) target_semaphore(%arg18 : memref<!tpu.dma_semaphore, #tpu.memory_space<semaphore_mem>>)
        %add3A_99 = arith.constant 2 : i32
        %add3A_100 = arith.addi %mul3A_43, %add3A_99 : i32
        %add3A_101 = arith.constant 1 : i32
        %add3A_102 = arith.addi %add3A_100, %add3A_101 : i32
        %mul3A_103 = arith.constant 128 : i32
        %mul3A_104 = arith.muli %add3A_102, %mul3A_103 : i32
        %dma_start3A_105 = tpu.memref_slice %arg7[%mul3A_104] : memref<15872xi32, #tpu.memory_space<vmem>> -> memref<128xi32, #tpu.memory_space<vmem>>
        %dma_start3A_106 = arith.constant 0 : i32
        %dma_start3A_107 = arith.constant 0 : i32
        %dma_start3A_108 = tpu.memref_slice %arg4[%dma_start3A_106, %dma_start3A_107] : memref<10240x128xf32, #tpu.memory_space<hbm>> -> memref<10240x128xf32, #tpu.memory_space<hbm>>
        tpu.enqueue_indirect_dma source(%dma_start3A_108 : memref<10240x128xf32, #tpu.memory_space<hbm>>) target(%arg11 : memref<128x128xf32, #tpu.memory_space<vmem>>) offsets(%dma_start3A_105 : memref<128xi32, #tpu.memory_space<vmem>>) semaphore(%arg14 : memref<!tpu.dma_semaphore, #tpu.memory_space<semaphore_mem>>)
      } else {
      }
    }
    %while3A_39 = arith.constant 1 : i32
    scf.for %while3A_41 = %while3A_37 to %while3A_33 step %while3A_39  : i32 {
      %mul3A_42 = arith.constant 2 : i32
      %mul3A_43 = arith.muli %while3A_41, %mul3A_42 : i32
      %add3A_44 = arith.constant 0 : i32
      %add3A_45 = arith.addi %mul3A_43, %add3A_44 : i32
      %mul3A_46 = arith.constant 128 : i32
      %mul3A_47 = arith.muli %add3A_45, %mul3A_46 : i32
      %dma_wait3A_48 = tpu.memref_slice %arg7[%mul3A_47] : memref<15872xi32, #tpu.memory_space<vmem>> -> memref<128xi32, #tpu.memory_space<vmem>>
      %dma_wait3A_49 = arith.constant 0 : i32
      %dma_wait3A_50 = arith.constant 0 : i32
      %dma_wait3A_51 = tpu.memref_slice %arg4[%dma_wait3A_49, %dma_wait3A_50] : memref<10240x128xf32, #tpu.memory_space<hbm>> -> memref<10240x128xf32, #tpu.memory_space<hbm>>
      tpu.wait_indirect_dma semaphore(%arg13 : memref<!tpu.dma_semaphore, #tpu.memory_space<semaphore_mem>>) src(%dma_wait3A_51 : memref<10240x128xf32, #tpu.memory_space<hbm>>) dst(%arg10 : memref<128x128xf32, #tpu.memory_space<vmem>>)
      %mul3A_52 = arith.constant 128 : i32
      %mul3A_53 = arith.muli %add3A_45, %mul3A_52 : i32
      %add3A_54 = arith.addi %mul3A_6, %mul3A_53 : i32
      %dma_wait3A_55 = tpu.memref_slice %arg3[%add3A_54] : memref<327680xi32, #tpu.memory_space<hbm>> -> memref<128xi32, #tpu.memory_space<hbm>>
      %dma_wait3A_56 = tpu.memref_slice %arg3[%add3A_54] : memref<327680xi32, #tpu.memory_space<hbm>> -> memref<128xi32, #tpu.memory_space<hbm>>
      tpu.wait_dma2 semaphore(%arg17 : memref<!tpu.dma_semaphore, #tpu.memory_space<semaphore_mem>>) src(%dma_wait3A_56 : memref<128xi32, #tpu.memory_space<hbm>>) dst(%arg8 : memref<128xi32, #tpu.memory_space<vmem>>)
      %dma_start3A_57 = arith.constant 0 : i32
      %dma_start3A_58 = arith.constant 0 : i32
      %dma_start3A_59 = tpu.memref_slice %arg12[%dma_start3A_57, %dma_start3A_58] : memref<10240x128xf32, #tpu.memory_space<vmem_shared>> -> memref<10240x128xf32, #tpu.memory_space<vmem_shared>>
      tpu.enqueue_indirect_dma source(%arg10 : memref<128x128xf32, #tpu.memory_space<vmem>>) target(%dma_start3A_59 : memref<10240x128xf32, #tpu.memory_space<vmem_shared>>) offsets(%arg8 : memref<128xi32, #tpu.memory_space<vmem>>) semaphore(%arg15 : memref<!tpu.dma_semaphore, #tpu.memory_space<semaphore_mem>>) {add = true}
      %add3A_60 = arith.constant 1 : i32
      %add3A_61 = arith.addi %mul3A_43, %add3A_60 : i32
      %mul3A_62 = arith.constant 128 : i32
      %mul3A_63 = arith.muli %add3A_61, %mul3A_62 : i32
      %dma_wait3A_64 = tpu.memref_slice %arg7[%mul3A_63] : memref<15872xi32, #tpu.memory_space<vmem>> -> memref<128xi32, #tpu.memory_space<vmem>>
      %dma_wait3A_65 = arith.constant 0 : i32
      %dma_wait3A_66 = arith.constant 0 : i32
      %dma_wait3A_67 = tpu.memref_slice %arg4[%dma_wait3A_65, %dma_wait3A_66] : memref<10240x128xf32, #tpu.memory_space<hbm>> -> memref<10240x128xf32, #tpu.memory_space<hbm>>
      tpu.wait_indirect_dma semaphore(%arg14 : memref<!tpu.dma_semaphore, #tpu.memory_space<semaphore_mem>>) src(%dma_wait3A_67 : memref<10240x128xf32, #tpu.memory_space<hbm>>) dst(%arg11 : memref<128x128xf32, #tpu.memory_space<vmem>>)
      %mul3A_68 = arith.constant 128 : i32
      %mul3A_69 = arith.muli %add3A_61, %mul3A_68 : i32
      %add3A_70 = arith.addi %mul3A_6, %mul3A_69 : i32
      %dma_wait3A_71 = tpu.memref_slice %arg3[%add3A_70] : memref<327680xi32, #tpu.memory_space<hbm>> -> memref<128xi32, #tpu.memory_space<hbm>>
      %dma_wait3A_72 = tpu.memref_slice %arg3[%add3A_70] : memref<327680xi32, #tpu.memory_space<hbm>> -> memref<128xi32, #tpu.memory_space<hbm>>
      tpu.wait_dma2 semaphore(%arg18 : memref<!tpu.dma_semaphore, #tpu.memory_space<semaphore_mem>>) src(%dma_wait3A_72 : memref<128xi32, #tpu.memory_space<hbm>>) dst(%arg9 : memref<128xi32, #tpu.memory_space<vmem>>)
      %dma_start3A_73 = arith.constant 0 : i32
      %dma_start3A_74 = arith.constant 0 : i32
      %dma_start3A_75 = tpu.memref_slice %arg12[%dma_start3A_73, %dma_start3A_74] : memref<10240x128xf32, #tpu.memory_space<vmem_shared>> -> memref<10240x128xf32, #tpu.memory_space<vmem_shared>>
      tpu.enqueue_indirect_dma source(%arg11 : memref<128x128xf32, #tpu.memory_space<vmem>>) target(%dma_start3A_75 : memref<10240x128xf32, #tpu.memory_space<vmem_shared>>) offsets(%arg9 : memref<128xi32, #tpu.memory_space<vmem>>) semaphore(%arg16 : memref<!tpu.dma_semaphore, #tpu.memory_space<semaphore_mem>>) {add = true}
      %dma_wait3A_76 = arith.constant 0 : i32
      %dma_wait3A_77 = arith.constant 0 : i32
      %dma_wait3A_78 = tpu.memref_slice %arg12[%dma_wait3A_76, %dma_wait3A_77] : memref<10240x128xf32, #tpu.memory_space<vmem_shared>> -> memref<10240x128xf32, #tpu.memory_space<vmem_shared>>
      tpu.wait_indirect_dma semaphore(%arg15 : memref<!tpu.dma_semaphore, #tpu.memory_space<semaphore_mem>>) src(%arg10 : memref<128x128xf32, #tpu.memory_space<vmem>>) dst(%dma_wait3A_78 : memref<10240x128xf32, #tpu.memory_space<vmem_shared>>)
      %sub3A = arith.constant 1 : i32
      %sub3A_79 = arith.subi %select_n3A_8, %sub3A : i32
      %lt3A = arith.cmpi slt, %while3A_41, %sub3A_79 : i32
      %convert_element_type3A = arith.extui %lt3A : i1 to i32
      %cond3A = arith.constant 0 : i32
      %cond3A_80 = arith.cmpi ne, %convert_element_type3A, %cond3A : i32
      scf.if %cond3A_80 {
        %add3A_90 = arith.constant 2 : i32
        %add3A_91 = arith.addi %mul3A_43, %add3A_90 : i32
        %add3A_92 = arith.constant 0 : i32
        %add3A_93 = arith.addi %add3A_91, %add3A_92 : i32
        %mul3A_94 = arith.constant 128 : i32
        %mul3A_95 = arith.muli %add3A_93, %mul3A_94 : i32
        %add3A_96 = arith.addi %mul3A_6, %mul3A_95 : i32
        %dma_start3A_97 = tpu.memref_slice %arg3[%add3A_96] : memref<327680xi32, #tpu.memory_space<hbm>> -> memref<128xi32, #tpu.memory_space<hbm>>
        %dma_start3A_98 = tpu.memref_slice %arg3[%add3A_96] : memref<327680xi32, #tpu.memory_space<hbm>> -> memref<128xi32, #tpu.memory_space<hbm>>
        tpu.enqueue_dma source(%dma_start3A_98 : memref<128xi32, #tpu.memory_space<hbm>>) target(%arg8 : memref<128xi32, #tpu.memory_space<vmem>>) target_semaphore(%arg17 : memref<!tpu.dma_semaphore, #tpu.memory_space<semaphore_mem>>)
        %add3A_99 = arith.constant 2 : i32
        %add3A_100 = arith.addi %mul3A_43, %add3A_99 : i32
        %add3A_101 = arith.constant 0 : i32
        %add3A_102 = arith.addi %add3A_100, %add3A_101 : i32
        %mul3A_103 = arith.constant 128 : i32
        %mul3A_104 = arith.muli %add3A_102, %mul3A_103 : i32
        %dma_start3A_105 = tpu.memref_slice %arg7[%mul3A_104] : memref<15872xi32, #tpu.memory_space<vmem>> -> memref<128xi32, #tpu.memory_space<vmem>>
        %dma_start3A_106 = arith.constant 0 : i32
        %dma_start3A_107 = arith.constant 0 : i32
        %dma_start3A_108 = tpu.memref_slice %arg4[%dma_start3A_106, %dma_start3A_107] : memref<10240x128xf32, #tpu.memory_space<hbm>> -> memref<10240x128xf32, #tpu.memory_space<hbm>>
        tpu.enqueue_indirect_dma source(%dma_start3A_108 : memref<10240x128xf32, #tpu.memory_space<hbm>>) target(%arg10 : memref<128x128xf32, #tpu.memory_space<vmem>>) offsets(%dma_start3A_105 : memref<128xi32, #tpu.memory_space<vmem>>) semaphore(%arg13 : memref<!tpu.dma_semaphore, #tpu.memory_space<semaphore_mem>>)
      } else {
      }
      %dma_wait3A_81 = arith.constant 0 : i32
      %dma_wait3A_82 = arith.constant 0 : i32
      %dma_wait3A_83 = tpu.memref_slice %arg12[%dma_wait3A_81, %dma_wait3A_82] : memref<10240x128xf32, #tpu.memory_space<vmem_shared>> -> memref<10240x128xf32, #tpu.memory_space<vmem_shared>>
      tpu.wait_indirect_dma semaphore(%arg16 : memref<!tpu.dma_semaphore, #tpu.memory_space<semaphore_mem>>) src(%arg11 : memref<128x128xf32, #tpu.memory_space<vmem>>) dst(%dma_wait3A_83 : memref<10240x128xf32, #tpu.memory_space<vmem_shared>>)
      %sub3A_84 = arith.constant 1 : i32
      %sub3A_85 = arith.subi %select_n3A_8, %sub3A_84 : i32
      %lt3A_86 = arith.cmpi slt, %while3A_41, %sub3A_85 : i32
      %convert_element_type3A_87 = arith.extui %lt3A_86 : i1 to i32
      %cond3A_88 = arith.constant 0 : i32
      %cond3A_89 = arith.cmpi ne, %convert_element_type3A_87, %cond3A_88 : i32
      scf.if %cond3A_89 {
        %add3A_90 = arith.constant 2 : i32
        %add3A_91 = arith.addi %mul3A_43, %add3A_90 : i32
        %add3A_92 = arith.constant 1 : i32
        %add3A_93 = arith.addi %add3A_91, %add3A_92 : i32
        %mul3A_94 = arith.constant 128 : i32
        %mul3A_95 = arith.muli %add3A_93, %mul3A_94 : i32
        %add3A_96 = arith.addi %mul3A_6, %mul3A_95 : i32
        %dma_start3A_97 = tpu.memref_slice %arg3[%add3A_96] : memref<327680xi32, #tpu.memory_space<hbm>> -> memref<128xi32, #tpu.memory_space<hbm>>
        %dma_start3A_98 = tpu.memref_slice %arg3[%add3A_96] : memref<327680xi32, #tpu.memory_space<hbm>> -> memref<128xi32, #tpu.memory_space<hbm>>
        tpu.enqueue_dma source(%dma_start3A_98 : memref<128xi32, #tpu.memory_space<hbm>>) target(%arg9 : memref<128xi32, #tpu.memory_space<vmem>>) target_semaphore(%arg18 : memref<!tpu.dma_semaphore, #tpu.memory_space<semaphore_mem>>)
        %add3A_99 = arith.constant 2 : i32
        %add3A_100 = arith.addi %mul3A_43, %add3A_99 : i32
        %add3A_101 = arith.constant 1 : i32
        %add3A_102 = arith.addi %add3A_100, %add3A_101 : i32
        %mul3A_103 = arith.constant 128 : i32
        %mul3A_104 = arith.muli %add3A_102, %mul3A_103 : i32
        %dma_start3A_105 = tpu.memref_slice %arg7[%mul3A_104] : memref<15872xi32, #tpu.memory_space<vmem>> -> memref<128xi32, #tpu.memory_space<vmem>>
        %dma_start3A_106 = arith.constant 0 : i32
        %dma_start3A_107 = arith.constant 0 : i32
        %dma_start3A_108 = tpu.memref_slice %arg4[%dma_start3A_106, %dma_start3A_107] : memref<10240x128xf32, #tpu.memory_space<hbm>> -> memref<10240x128xf32, #tpu.memory_space<hbm>>
        tpu.enqueue_indirect_dma source(%dma_start3A_108 : memref<10240x128xf32, #tpu.memory_space<hbm>>) target(%arg11 : memref<128x128xf32, #tpu.memory_space<vmem>>) offsets(%dma_start3A_105 : memref<128xi32, #tpu.memory_space<vmem>>) semaphore(%arg14 : memref<!tpu.dma_semaphore, #tpu.memory_space<semaphore_mem>>)
      } else {
      }
    }
    %barrier3A_40 = arith.constant 0 : index
    tpu.barrier barrier_id(%barrier3A_40)
    "tpu.region"() ({
      %run_scoped3A = tpu.sem_alloc : memref<!tpu.dma_semaphore, #tpu.memory_space<semaphore_mem>>
      %dma_start3A_41 = arith.constant 0 : i32
      %dma_start3A_42 = tpu.memref_slice %arg6[%arg0, %mul3A_11, %dma_start3A_41] : memref<2x10240x128xf32, #tpu.memory_space<hbm>> -> memref<1x640x128xf32, #tpu.memory_space<hbm>>
      %dma_start3A_43 = tpu.memref_squeeze %dma_start3A_42 : memref<1x640x128xf32, #tpu.memory_space<hbm>> -> memref<640x128xf32, #tpu.memory_space<hbm>>
      %dma_start3A_44 = arith.constant 0 : i32
      %dma_start3A_45 = tpu.memref_slice %arg12[%mul3A_11, %dma_start3A_44] : memref<10240x128xf32, #tpu.memory_space<vmem_shared>> -> memref<640x128xf32, #tpu.memory_space<vmem_shared>>
      tpu.enqueue_dma source(%dma_start3A_45 : memref<640x128xf32, #tpu.memory_space<vmem_shared>>) target(%dma_start3A_43 : memref<640x128xf32, #tpu.memory_space<hbm>>) target_semaphore(%run_scoped3A : memref<!tpu.dma_semaphore, #tpu.memory_space<semaphore_mem>>)
      %dma_wait3A_46 = arith.constant 0 : i32
      %dma_wait3A_47 = tpu.memref_slice %arg6[%arg0, %mul3A_11, %dma_wait3A_46] : memref<2x10240x128xf32, #tpu.memory_space<hbm>> -> memref<1x640x128xf32, #tpu.memory_space<hbm>>
      %dma_wait3A_48 = tpu.memref_squeeze %dma_wait3A_47 : memref<1x640x128xf32, #tpu.memory_space<hbm>> -> memref<640x128xf32, #tpu.memory_space<hbm>>
      %dma_wait3A_49 = arith.constant 0 : i32
      %dma_wait3A_50 = tpu.memref_slice %arg12[%mul3A_11, %dma_wait3A_49] : memref<10240x128xf32, #tpu.memory_space<vmem_shared>> -> memref<640x128xf32, #tpu.memory_space<vmem_shared>>
      tpu.wait_dma2 semaphore(%run_scoped3A : memref<!tpu.dma_semaphore, #tpu.memory_space<semaphore_mem>>) src(%dma_wait3A_50 : memref<640x128xf32, #tpu.memory_space<vmem_shared>>) dst(%dma_wait3A_48 : memref<640x128xf32, #tpu.memory_space<hbm>>)
      tpu.yield
    }) : () -> ()
    return
  }
}

module attributes {stable_mosaic.version = 14 : i64} {
  func.func @_prep1_body(%arg0: i32, %arg1: memref<2x512x16xf32, #tpu.memory_space<vmem>>, %arg2: memref<512x128xf32, #tpu.memory_space<vmem>>, %arg3: memref<128x128xf32, #tpu.memory_space<vmem>>, %arg4: memref<512x16xf32, #tpu.memory_space<vmem>>, %arg5: memref<512x128xf32, #tpu.memory_space<vmem>>) attributes {dimension_semantics = [#tpu.dimension_semantics<arbitrary>], iteration_bounds = array<i64: 20>, scalar_prefetch = 0 : i64, scratch_operands = 0 : i64, tpu.core_type = #tpu.core_type<tc>, window_params = [{transform_indices = @transform_0, window_bounds = array<i64: 2, 512, 16>}, {transform_indices = @transform_1, window_bounds = array<i64: 512, 128>}, {pipeline_mode = #tpu.pipeline_mode<synchronous>, transform_indices = @transform_2, window_bounds = array<i64: 128, 128>}, {transform_indices = @transform_3, window_bounds = array<i64: 512, 16>}, {transform_indices = @transform_4, window_bounds = array<i64: 512, 128>}]} {
    %get3A = arith.constant 0 : index
    %get3A_0 = arith.constant 0 : index
    %get3A_1 = arith.constant 0 : index
    %get3A_2 = vector.load %arg1[%get3A, %get3A_0, %get3A_1] : memref<2x512x16xf32, #tpu.memory_space<vmem>>, vector<1x512x16xf32>
    %get3A_3 = vector.shape_cast %get3A_2 : vector<1x512x16xf32> to vector<512x16xf32>
    %add3A = arith.constant 1.000000e+00 : f32
    %add3A_4 = vector.broadcast %add3A : f32 to vector<512x16xf32>
    %add3A_5 = arith.addf %add3A_4, %get3A_3 : vector<512x16xf32>
    %get3A_6 = arith.constant 1 : index
    %get3A_7 = arith.constant 0 : index
    %get3A_8 = arith.constant 0 : index
    %get3A_9 = vector.load %arg1[%get3A_6, %get3A_7, %get3A_8] : memref<2x512x16xf32, #tpu.memory_space<vmem>>, vector<1x512x16xf32>
    %get3A_10 = vector.shape_cast %get3A_9 : vector<1x512x16xf32> to vector<512x16xf32>
    %add3A_11 = arith.addf %add3A_5, %get3A_10 : vector<512x16xf32>
    %rsqrt3A = math.rsqrt %add3A_11 : vector<512x16xf32>
    %swap3A = arith.constant 0 : index
    %swap3A_12 = arith.constant 0 : index
    %swap3A_13 = vector.load %arg4[%swap3A, %swap3A_12] : memref<512x16xf32, #tpu.memory_space<vmem>>, vector<512x16xf32>
    tpu.vector_store %arg4[%swap3A, %swap3A_12], %rsqrt3A {strides = array<i32>} : memref<512x16xf32, #tpu.memory_space<vmem>>, vector<512x16xf32>,
    %get3A_14 = arith.constant 0 : index
    %get3A_15 = arith.constant 0 : index
    %get3A_16 = vector.load %arg2[%get3A_14, %get3A_15] : memref<512x128xf32, #tpu.memory_space<vmem>>, vector<512x128xf32>
    %get3A_17 = arith.constant 0 : index
    %get3A_18 = arith.constant 0 : index
    %get3A_19 = vector.load %arg3[%get3A_17, %get3A_18] : memref<128x128xf32, #tpu.memory_space<vmem>>, vector<128x128xf32>
    %dot_general3A = arith.constant dense<0.000000e+00> : vector<512x128xf32>
    %dot_general3A_20 = tpu.matmul %get3A_16, %get3A_19, %dot_general3A {dimension_numbers = #tpu.dot_dimension_numbers<[1], [0], [0], [1], [0, 0, 1, 1], [], []>, transpose_lhs_hint = false} : vector<512x128xf32>, vector<128x128xf32>, vector<512x128xf32> -> vector<512x128xf32>
    %slice3A = vector.extract_strided_slice %rsqrt3A {offsets = [0, 0], sizes = [512, 1], strides = [1, 1]} : vector<512x16xf32> to vector<512x1xf32>
    %mul3A = vector.broadcast %slice3A : vector<512x1xf32> to vector<512x128xf32>
    %mul3A_21 = arith.mulf %mul3A, %dot_general3A_20 : vector<512x128xf32>
    %swap3A_22 = arith.constant 0 : index
    %swap3A_23 = arith.constant 0 : index
    %swap3A_24 = vector.load %arg5[%swap3A_22, %swap3A_23] : memref<512x128xf32, #tpu.memory_space<vmem>>, vector<512x128xf32>
    tpu.vector_store %arg5[%swap3A_22, %swap3A_23], %mul3A_21 {strides = array<i32>} : memref<512x128xf32, #tpu.memory_space<vmem>>, vector<512x128xf32>,
    return
  }
  func.func @transform_0(%arg0: i32) -> (i32, i32, i32) {
    %c0_i32 = arith.constant 0 : i32
    %c0_i32_0 = arith.constant 0 : i32
    %c0_i32_1 = arith.constant 0 : i32
    return %c0_i32, %arg0, %c0_i32_0 : i32, i32, i32
  }
  func.func @transform_1(%arg0: i32) -> (i32, i32) {
    %c0_i32 = arith.constant 0 : i32
    %c0_i32_0 = arith.constant 0 : i32
    return %arg0, %c0_i32 : i32, i32
  }
  func.func @transform_2(%arg0: i32) -> (i32, i32) {
    %c0_i32 = arith.constant 0 : i32
    %c0_i32_0 = arith.constant 0 : i32
    %c0_i32_1 = arith.constant 0 : i32
    return %c0_i32, %c0_i32_0 : i32, i32
  }
  func.func @transform_3(%arg0: i32) -> (i32, i32) {
    %c0_i32 = arith.constant 0 : i32
    %c0_i32_0 = arith.constant 0 : i32
    return %arg0, %c0_i32 : i32, i32
  }
  func.func @transform_4(%arg0: i32) -> (i32, i32) {
    %c0_i32 = arith.constant 0 : i32
    %c0_i32_0 = arith.constant 0 : i32
    return %arg0, %c0_i32 : i32, i32
  }
}

module attributes {stable_mosaic.version = 14 : i64} {
  func.func @_prep2_body(%arg0: i32, %arg1: memref<2x512x128xf32, #tpu.memory_space<vmem>>, %arg2: memref<512x128xf32, #tpu.memory_space<vmem>>, %arg3: memref<512x16xf32, #tpu.memory_space<vmem>>, %arg4: memref<1x128xf32, #tpu.memory_space<vmem>>, %arg5: memref<512x128xf32, #tpu.memory_space<vmem>>) attributes {dimension_semantics = [#tpu.dimension_semantics<arbitrary>], iteration_bounds = array<i64: 20>, scalar_prefetch = 0 : i64, scratch_operands = 0 : i64, tpu.core_type = #tpu.core_type<tc>, window_params = [{transform_indices = @transform_0, window_bounds = array<i64: 2, 512, 128>}, {transform_indices = @transform_1, window_bounds = array<i64: 512, 128>}, {transform_indices = @transform_2, window_bounds = array<i64: 512, 16>}, {pipeline_mode = #tpu.pipeline_mode<synchronous>, transform_indices = @transform_3, window_bounds = array<i64: 1, 128>}, {transform_indices = @transform_4, window_bounds = array<i64: 512, 128>}]} {
    %get3A = arith.constant 0 : index
    %get3A_0 = arith.constant 0 : index
    %get3A_1 = vector.load %arg3[%get3A, %get3A_0] : memref<512x16xf32, #tpu.memory_space<vmem>>, vector<512x1xf32>
    %get3A_2 = arith.constant 0 : index
    %get3A_3 = arith.constant 0 : index
    %get3A_4 = arith.constant 0 : index
    %get3A_5 = vector.load %arg1[%get3A_2, %get3A_3, %get3A_4] : memref<2x512x128xf32, #tpu.memory_space<vmem>>, vector<1x512x128xf32>
    %get3A_6 = vector.shape_cast %get3A_5 : vector<1x512x128xf32> to vector<512x128xf32>
    %get3A_7 = arith.constant 1 : index
    %get3A_8 = arith.constant 0 : index
    %get3A_9 = arith.constant 0 : index
    %get3A_10 = vector.load %arg1[%get3A_7, %get3A_8, %get3A_9] : memref<2x512x128xf32, #tpu.memory_space<vmem>>, vector<1x512x128xf32>
    %get3A_11 = vector.shape_cast %get3A_10 : vector<1x512x128xf32> to vector<512x128xf32>
    %add3A = arith.addf %get3A_6, %get3A_11 : vector<512x128xf32>
    %get3A_12 = arith.constant 0 : index
    %get3A_13 = arith.constant 0 : index
    %get3A_14 = vector.load %arg2[%get3A_12, %get3A_13] : memref<512x128xf32, #tpu.memory_space<vmem>>, vector<512x128xf32>
    %add3A_15 = arith.addf %add3A, %get3A_14 : vector<512x128xf32>
    %mul3A = vector.broadcast %get3A_1 : vector<512x1xf32> to vector<512x128xf32>
    %mul3A_16 = arith.mulf %mul3A, %add3A_15 : vector<512x128xf32>
    %get3A_17 = arith.constant 0 : index
    %get3A_18 = arith.constant 0 : index
    %get3A_19 = vector.load %arg4[%get3A_17, %get3A_18] : memref<1x128xf32, #tpu.memory_space<vmem>>, vector<1x128xf32>
    %add3A_20 = vector.broadcast %get3A_19 : vector<1x128xf32> to vector<512x128xf32>
    %add3A_21 = arith.addf %mul3A_16, %add3A_20 : vector<512x128xf32>
    %max3A = arith.constant 0.000000e+00 : f32
    %max3A_22 = vector.broadcast %max3A : f32 to vector<512x128xf32>
    %max3A_23 = arith.maximumf %add3A_21, %max3A_22 : vector<512x128xf32>
    %mul3A_24 = vector.broadcast %get3A_1 : vector<512x1xf32> to vector<512x128xf32>
    %mul3A_25 = arith.mulf %mul3A_24, %max3A_23 : vector<512x128xf32>
    %swap3A = arith.constant 0 : index
    %swap3A_26 = arith.constant 0 : index
    %swap3A_27 = vector.load %arg5[%swap3A, %swap3A_26] : memref<512x128xf32, #tpu.memory_space<vmem>>, vector<512x128xf32>
    tpu.vector_store %arg5[%swap3A, %swap3A_26], %mul3A_25 {strides = array<i32>} : memref<512x128xf32, #tpu.memory_space<vmem>>, vector<512x128xf32>,
    return
  }
  func.func @transform_0(%arg0: i32) -> (i32, i32, i32) {
    %c0_i32 = arith.constant 0 : i32
    %c0_i32_0 = arith.constant 0 : i32
    %c0_i32_1 = arith.constant 0 : i32
    return %c0_i32, %arg0, %c0_i32_0 : i32, i32, i32
  }
  func.func @transform_1(%arg0: i32) -> (i32, i32) {
    %c0_i32 = arith.constant 0 : i32
    %c0_i32_0 = arith.constant 0 : i32
    return %arg0, %c0_i32 : i32, i32
  }
  func.func @transform_2(%arg0: i32) -> (i32, i32) {
    %c0_i32 = arith.constant 0 : i32
    %c0_i32_0 = arith.constant 0 : i32
    return %arg0, %c0_i32 : i32, i32
  }
  func.func @transform_3(%arg0: i32) -> (i32, i32) {
    %c0_i32 = arith.constant 0 : i32
    %c0_i32_0 = arith.constant 0 : i32
    %c0_i32_1 = arith.constant 0 : i32
    return %c0_i32, %c0_i32_0 : i32, i32
  }
  func.func @transform_4(%arg0: i32) -> (i32, i32) {
    %c0_i32 = arith.constant 0 : i32
    %c0_i32_0 = arith.constant 0 : i32
    return %arg0, %c0_i32 : i32, i32
  }
}

module attributes {stable_mosaic.version = 14 : i64} {
  func.func @_final_body(%arg0: i32, %arg1: memref<2x512x128xf32, #tpu.memory_space<vmem>>, %arg2: memref<512x128xf32, #tpu.memory_space<vmem>>, %arg3: memref<512x16xf32, #tpu.memory_space<vmem>>, %arg4: memref<1x16xf32, #tpu.memory_space<vmem>>, %arg5: memref<128x16xf32, #tpu.memory_space<vmem>>, %arg6: memref<512x16xf32, #tpu.memory_space<vmem>>) attributes {dimension_semantics = [#tpu.dimension_semantics<arbitrary>], iteration_bounds = array<i64: 20>, scalar_prefetch = 0 : i64, scratch_operands = 0 : i64, tpu.core_type = #tpu.core_type<tc>, window_params = [{transform_indices = @transform_0, window_bounds = array<i64: 2, 512, 128>}, {transform_indices = @transform_1, window_bounds = array<i64: 512, 128>}, {transform_indices = @transform_2, window_bounds = array<i64: 512, 16>}, {pipeline_mode = #tpu.pipeline_mode<synchronous>, transform_indices = @transform_3, window_bounds = array<i64: 1, 16>}, {pipeline_mode = #tpu.pipeline_mode<synchronous>, transform_indices = @transform_4, window_bounds = array<i64: 128, 16>}, {transform_indices = @transform_5, window_bounds = array<i64: 512, 16>}]} {
    %get3A = arith.constant 0 : index
    %get3A_0 = arith.constant 0 : index
    %get3A_1 = arith.constant 0 : index
    %get3A_2 = vector.load %arg1[%get3A, %get3A_0, %get3A_1] : memref<2x512x128xf32, #tpu.memory_space<vmem>>, vector<1x512x128xf32>
    %get3A_3 = vector.shape_cast %get3A_2 : vector<1x512x128xf32> to vector<512x128xf32>
    %get3A_4 = arith.constant 1 : index
    %get3A_5 = arith.constant 0 : index
    %get3A_6 = arith.constant 0 : index
    %get3A_7 = vector.load %arg1[%get3A_4, %get3A_5, %get3A_6] : memref<2x512x128xf32, #tpu.memory_space<vmem>>, vector<1x512x128xf32>
    %get3A_8 = vector.shape_cast %get3A_7 : vector<1x512x128xf32> to vector<512x128xf32>
    %add3A = arith.addf %get3A_3, %get3A_8 : vector<512x128xf32>
    %get3A_9 = arith.constant 0 : index
    %get3A_10 = arith.constant 0 : index
    %get3A_11 = vector.load %arg2[%get3A_9, %get3A_10] : memref<512x128xf32, #tpu.memory_space<vmem>>, vector<512x128xf32>
    %add3A_12 = arith.addf %add3A, %get3A_11 : vector<512x128xf32>
    %get3A_13 = arith.constant 0 : index
    %get3A_14 = arith.constant 0 : index
    %get3A_15 = vector.load %arg5[%get3A_13, %get3A_14] : memref<128x16xf32, #tpu.memory_space<vmem>>, vector<128x16xf32>
    %dot_general3A = arith.constant dense<0.000000e+00> : vector<512x16xf32>
    %dot_general3A_16 = tpu.matmul %add3A_12, %get3A_15, %dot_general3A {dimension_numbers = #tpu.dot_dimension_numbers<[1], [0], [0], [1], [0, 0, 1, 1], [], []>, transpose_lhs_hint = false} : vector<512x128xf32>, vector<128x16xf32>, vector<512x16xf32> -> vector<512x16xf32>
    %get3A_17 = arith.constant 0 : index
    %get3A_18 = arith.constant 0 : index
    %get3A_19 = vector.load %arg3[%get3A_17, %get3A_18] : memref<512x16xf32, #tpu.memory_space<vmem>>, vector<512x1xf32>
    %mul3A = vector.broadcast %get3A_19 : vector<512x1xf32> to vector<512x16xf32>
    %mul3A_20 = arith.mulf %mul3A, %dot_general3A_16 : vector<512x16xf32>
    %get3A_21 = arith.constant 0 : index
    %get3A_22 = arith.constant 0 : index
    %get3A_23 = vector.load %arg4[%get3A_21, %get3A_22] : memref<1x16xf32, #tpu.memory_space<vmem>>, vector<1x16xf32>
    %add3A_24 = vector.broadcast %get3A_23 : vector<1x16xf32> to vector<512x16xf32>
    %add3A_25 = arith.addf %mul3A_20, %add3A_24 : vector<512x16xf32>
    %max3A = arith.constant 0.000000e+00 : f32
    %max3A_26 = vector.broadcast %max3A : f32 to vector<512x16xf32>
    %max3A_27 = arith.maximumf %add3A_25, %max3A_26 : vector<512x16xf32>
    %reduce_max3A = arith.constant dense<0xFF800000> : vector<512xf32>
    %reduce_max3A_28 = vector.multi_reduction <maximumf>, %max3A_27, %reduce_max3A [1] : vector<512x16xf32> to vector<512xf32>
    %broadcast_in_dim3A = vector.shape_cast %reduce_max3A_28 : vector<512xf32> to vector<512x1xf32>
    %sub3A = vector.broadcast %broadcast_in_dim3A : vector<512x1xf32> to vector<512x16xf32>
    %sub3A_29 = arith.subf %max3A_27, %sub3A : vector<512x16xf32>
    %exp3A = math.exp %sub3A_29 : vector<512x16xf32>
    %reduce_sum3A = arith.constant dense<0.000000e+00> : vector<512xf32>
    %reduce_sum3A_30 = vector.multi_reduction <add>, %exp3A, %reduce_sum3A [1] : vector<512x16xf32> to vector<512xf32>
    %broadcast_in_dim3A_31 = vector.shape_cast %reduce_sum3A_30 : vector<512xf32> to vector<512x1xf32>
    %log3A = math.log %broadcast_in_dim3A_31 : vector<512x1xf32>
    %sub3A_32 = vector.broadcast %log3A : vector<512x1xf32> to vector<512x16xf32>
    %sub3A_33 = arith.subf %sub3A_29, %sub3A_32 : vector<512x16xf32>
    %swap3A = arith.constant 0 : index
    %swap3A_34 = arith.constant 0 : index
    %swap3A_35 = vector.load %arg6[%swap3A, %swap3A_34] : memref<512x16xf32, #tpu.memory_space<vmem>>, vector<512x16xf32>
    tpu.vector_store %arg6[%swap3A, %swap3A_34], %sub3A_33 {strides = array<i32>} : memref<512x16xf32, #tpu.memory_space<vmem>>, vector<512x16xf32>,
    return
  }
  func.func @transform_0(%arg0: i32) -> (i32, i32, i32) {
    %c0_i32 = arith.constant 0 : i32
    %c0_i32_0 = arith.constant 0 : i32
    %c0_i32_1 = arith.constant 0 : i32
    return %c0_i32, %arg0, %c0_i32_0 : i32, i32, i32
  }
  func.func @transform_1(%arg0: i32) -> (i32, i32) {
    %c0_i32 = arith.constant 0 : i32
    %c0_i32_0 = arith.constant 0 : i32
    return %arg0, %c0_i32 : i32, i32
  }
  func.func @transform_2(%arg0: i32) -> (i32, i32) {
    %c0_i32 = arith.constant 0 : i32
    %c0_i32_0 = arith.constant 0 : i32
    return %arg0, %c0_i32 : i32, i32
  }
  func.func @transform_3(%arg0: i32) -> (i32, i32) {
    %c0_i32 = arith.constant 0 : i32
    %c0_i32_0 = arith.constant 0 : i32
    %c0_i32_1 = arith.constant 0 : i32
    return %c0_i32, %c0_i32_0 : i32, i32
  }
  func.func @transform_4(%arg0: i32) -> (i32, i32) {
    %c0_i32 = arith.constant 0 : i32
    %c0_i32_0 = arith.constant 0 : i32
    %c0_i32_1 = arith.constant 0 : i32
    return %c0_i32, %c0_i32_0 : i32, i32
  }
  func.func @transform_5(%arg0: i32) -> (i32, i32) {
    %c0_i32 = arith.constant 0 : i32
    %c0_i32_0 = arith.constant 0 : i32
    return %arg0, %c0_i32 : i32, i32
  }
}

</mosaic_0001>

<sc_bundles>
// kernel: kernel.11.cloned.1.call-start
scs
__scs_entry_jumppad:
0x0: {  	(pc) =	sbr.rel $0x88, $3  }
0x1: {  	(tag) =	ssettag $0x0;
	lr =	simm.s32 $0x1  }
0x2: {  	[smem:$0x3F9B] =	sst lr;
	_ =	strace $0xD0000000  }
0x3: {  	_ = 	snop  }
0x4: {  	_ = 	snop  }
0x5: {  	_ = 	snop  }
0x6: {  	_ = 	snop  }
0x7: {  	_ = 	snop  }
__scs_overlays_trampoline_lowered:
0x8: {  	[smem:$0x3FAA] =	sst s0  }
0x9: {  	[smem:$0x3FAB] =	sst s1  }
0xa: {  	[smem:$0x3FAC] =	sst s2  }
0xb: {  	[smem:$0x3FAD] =	sst s3  }
0xc: {  	[smem:$0x3FAE] =	sst s4  }
0xd: {  	[smem:$0x3FAF] =	sst s5  }
0xe: {  	[smem:$0x3FB0] =	sst s6  }
0xf: {  	[smem:$0x3FB1] =	sst s7  }
0x10: {  	[smem:$0x3FB2] =	sst s8  }
0x11: {  	[smem:$0x3FB3] =	sst s9;
	s0 =	simm.s32 @!p0 $0x0  }
0x12: {  	s1 =	sld [smem:$0x3F99];
	s0 =	simm.s32 @p0 $0x1  }
0x13: {  	[smem:$0x3FB4] =	sst s0;
	s0 =	simm.s32 @!p1 $0x0  }
0x14: {  	s2 =	sld [smem:$0x3F98];
	s0 =	simm.s32 @p1 $0x1  }
0x15: {  	[smem:$0x3FB5] =	sst s0;
	s0 =	simm.s32 @!p2 $0x0  }
0x16: {  	s3 =	sld [smem:$0x3FDB];
	s0 =	simm.s32 @p2 $0x1  }
0x17: {  	s4 =	simm.s32 $0x1BF5;
	[smem:$0x3FB7] =	sst s0  }
0x18: {  	s0 =	sld [smem:$0x3F9A];
	_ =	swait.ge [sflag:s4], $0x0  }
0x19: {  	s7 =	sld [smem:$0x3F9B]  }
0x1a: {  	s8 =	sadd.s32 $0xFFFFE003, lr  }
0x1b: {  	s9 =	sadd.s32 $0xFFFFFEF7, lr;
	s5 =	simm.s32 $0xFFFFFFFF;
	p2 =	slt.u32 s8, $0xFFFFF086  }
0x1c: {  	p1 =	slt.u32 s9, $0xF7A;
	s5 =	simm.s32 @!p2 $0x0  }
0x1d: {  	s5 =	simm.s32 @p1 $0x1;
	p0 =	seq.s32 s7, s2  }
0x1e: {  	s7 =	smul.u32 @!p0 $0xF7A, s2;
	p2 =	seq.s32 @!p0 s5, $0x0  }
0x1f: {  	s9 =	smul.u32 $0xF7A, s1;
	s8 =	simm.s32 @!p0 $0x1BF5;
	p2 =	por !p2, p0  }
0x20: {  	[sflag:s8] =	ssyncset.s32 @!p0 $0xFFFFF086;
	s6 =	sadd.s32 @!p0 s3, s7;
	s7 =	simm.s32 @!p0 $0x108  }
0x21: {  	s3 =	sadd.s32 s3, s9;
	s6 =	sadd.s32 @!p0 $0x88, s6;
	s7 =	simm.s32 @p2 $0x1082  }
0x22: {  	[simem:s7], [sflag:s8] =	dma.local @!p0 [hbm:s6], $0xF7A  }
0x23: {  	s9 =	sor.u32 $0xD0000000, s2;
	s6 =	simm.s32 $0x108;
	_ =	swait.ge @!p0 [sflag:s8], $0x0  }
0x24: {  	s3 =	sadd.s32 $0x88, s3;
	s6 =	simm.s32 @!p1 $0x1082;
	[sflag:s4] =	ssyncset.s32 $0xFFFFF086  }
0x25: {  	[simem:s6], [sflag:s4] =	dma.local [hbm:s3], $0xF7A  }
0x26: {  	[smem:$0x3F9B] =	sst s1;
	(tag) =	ssettag s2;
	_ =	strace s9  }
0x27: {  	s1 =	sld [smem:$0x3FAB]  }
0x28: {  	s2 =	sld [smem:$0x3FAC]  }
0x29: {  	s4 =	sld [smem:$0x3FAE]  }
0x2a: {  	p0 =	seq.s32 s5, $0x0;
	s5 =	sld [smem:$0x3FAF]  }
0x2b: {  	s6 =	sld [smem:$0x3FB0]  }
0x2c: {  	s7 =	sld [smem:$0x3FB1]  }
0x2d: {  	s3 =	simm.s32 $0x108;
	s8 =	sld [smem:$0x3FB2]  }
0x2e: {  	s3 =	simm.s32 @!p0 $0x1082;
	s9 =	sld [smem:$0x3FB3]  }
0x2f: {  	lr =	sadd.s32 s0, s3;
	s0 =	sld [smem:$0x3FAA]  }
0x30: {  	s3 =	sld [smem:$0x3FAD]  }
0x31: {  	[smem:$0x3FB6] =	sst s10  }
0x32: {  	s10 =	sld [smem:$0x3FB4];
	_ =	sdelay $0x3  }
0x33: {  	p0 =	seq.s32 s10, $0x1;
	s10 =	sld [smem:$0x3FB6];
	_ =	sdelay $0x3  }
0x34: {  	[smem:$0x3FB6] =	sst s10  }
0x35: {  	s10 =	sld [smem:$0x3FB5];
	_ =	sdelay $0x3  }
0x36: {  	p1 =	seq.s32 s10, $0x1;
	s10 =	sld [smem:$0x3FB6];
	_ =	sdelay $0x3  }
0x37: {  	[smem:$0x3FB6] =	sst s10  }
0x38: {  	s10 =	sld [smem:$0x3FB7]  }
0x39: {  	_ = 	snop;
	(pc) =	sbr.ind lr, $3  }
0x3a: {  	_ = 	snop  }
0x3b: {  	_ = 	snop  }
0x3c: {  	p2 =	seq.s32 s10, $0x1;
	s10 =	sld [smem:$0x3FB6]  }
0x3d: {  	_ =	shalt  }
0x3e: {  	_ =	shalt  }
0x3f: {  	_ =	shalt  }
0x40: {  	_ =	shalt  }
0x41: {  	_ =	shalt  }
0x42: {  	_ =	shalt  }
0x43: {  	_ =	shalt  }
0x44: {  	_ =	shalt  }
0x45: {  	_ =	shalt  }
0x46: {  	_ =	shalt  }
0x47: {  	_ =	shalt  }
0x48: {  	_ =	shalt  }
0x49: {  	_ =	shalt  }
0x4a: {  	_ =	shalt  }
0x4b: {  	_ =	shalt  }
0x4c: {  	_ =	shalt  }
0x4d: {  	_ =	shalt  }
0x4e: {  	_ =	shalt  }
0x4f: {  	_ =	shalt  }
0x50: {  	_ =	shalt  }
0x51: {  	_ =	shalt  }
0x52: {  	_ =	shalt  }
0x53: {  	_ =	shalt  }
0x54: {  	_ =	shalt  }
0x55: {  	_ =	shalt  }
0x56: {  	_ =	shalt  }
0x57: {  	_ =	shalt  }
0x58: {  	_ =	shalt  }
0x59: {  	_ =	shalt  }
0x5a: {  	_ =	shalt  }
0x5b: {  	_ =	shalt  }
0x5c: {  	_ =	shalt  }
0x5d: {  	_ =	shalt  }
0x5e: {  	_ =	shalt  }
0x5f: {  	_ =	shalt  }
0x60: {  	_ =	shalt  }
0x61: {  	_ =	shalt  }
0x62: {  	_ =	shalt  }
0x63: {  	_ =	shalt  }
0x64: {  	_ =	shalt  }
0x65: {  	_ =	shalt  }
0x66: {  	_ =	shalt  }
0x67: {  	_ =	shalt  }
0x68: {  	_ =	shalt  }
0x69: {  	_ =	shalt  }
0x6a: {  	_ =	shalt  }
0x6b: {  	_ =	shalt  }
0x6c: {  	_ =	shalt  }
0x6d: {  	_ =	shalt  }
0x6e: {  	_ =	shalt  }
0x6f: {  	_ =	shalt  }
0x70: {  	_ =	shalt  }
0x71: {  	_ =	shalt  }
0x72: {  	_ =	shalt  }
0x73: {  	_ =	shalt  }
0x74: {  	_ =	shalt  }
0x75: {  	_ =	shalt  }
0x76: {  	_ =	shalt  }
0x77: {  	_ =	shalt  }
0x78: {  	_ =	shalt  }
0x79: {  	_ =	shalt  }
0x7a: {  	_ =	shalt  }
0x7b: {  	_ =	shalt  }
0x7c: {  	_ =	shalt  }
0x7d: {  	_ =	shalt  }
0x7e: {  	_ =	shalt  }
0x7f: {  	_ =	shalt  }
0x80: {  	_ =	shalt  }
0x81: {  	_ =	shalt  }
0x82: {  	_ =	shalt  }
0x83: {  	_ =	shalt  }
0x84: {  	_ =	shalt  }
0x85: {  	_ =	shalt  }
0x86: {  	_ =	shalt  }
0x87: {  	_ =	shalt  }
.Lfunc_end0:
.L_simem_size_0:
called_computation.1_lowered:
.L_overlay_start_0:
0x88: {  	s2 =	sld [smem:$0x3FD9]  }
0x89: {  	s3 =	sld [smem:$0x3FFE];
	_ =	sdelay $0x1  }
0x8a: {  	s1 =	srdreg.scid  }
0x8b: {  	s0 =	sand.u32 $0x1, s1  }
0x8c: {  	s16 =	sshll.u32 s0, $0xA;
	s2 =	sadd.s32 s3, s2  }
0x8d: {  	s2 =	sadd.s32 s2, s16  }
0x8e: {  	[smem:$0x3FC2] =	sst s2  }
0x8f: {  	_ = 	snop  }
0x90: {  	(tm) =	ssettm $0x1  }
0x91: {  	s17 =	sld [smem:$0x3FFB];
	_ =	sdelay $0x3  }
0x92: {  	_ =	strace s17  }
0x93: {  	s2 =	sld [smem:$0x3FFC];
	_ =	sdelay $0x3  }
0x94: {  	_ =	strace s2  }
0x95: {  	s2 =	sld [smem:$0x3FFD];
	_ =	sdelay $0x3  }
0x96: {  	_ =	strace s2  }
0x97: {  	_ =	strace $0x8FFFFFFF  }
0x98: {  	s18 =	sld [smem:$0x3FDB];
	_ =	sdelay $0x1  }
0x99: {  	s19 =	simm.s32 $_scs_section_size  }
0x9a: {  	s4 =	simm.s32 $_size__tile_overlayer_lowered;
	s5 =	simm.s32 $_tile_overlayer_lowered  }
0x9b: {  	s22 =	simm.s32 $0x1BFF;
	s21 =	sshll.u32 s5, $0x1;
	s2 =	sadd.s32 s19, s18  }
0x9c: {  	s6 =	simm.s32 $0x0;
	s20 =	sshll.u32 s4, $0x1;
	s4 =	sadd.s32 s21, s2  }
0x9d: {  	[timem:s6], [sflag:s22] =	dma.local [hbm:s4], s20  }
0x9e: {  	_ =	swait.ge [sflag:s22], s20  }
0x9f: {  	s3 =	ssub.s32 $0x0, s20;
	[sflag:s22] =	ssyncset.done $0x0  }
0xa0: {  	[sflag:s22] =	ssyncadd.s32 s3;
	_ =	sdelay $0x1  }
0xa1: {  	s23 =	simm.s32 $0x1B8B  }
0xa2: {  	_ =	swait.ge [sflag:s23], $0x1  }
0xa3: {  	[sflag:s23] =	ssyncset.done $0x0  }
0xa4: {  	s25 =	simm.s32 $0x1B8E;
	s24 =	sld [smem:$0x3FFE];
	[sflag:s23] =	ssyncadd.s32 $0xFFFFFFFF  }
0xa5: {  	s26 =	simm.s32 $execute0_lowered;
	[smem:$0x3FD2] =	sst s25  }
0xa6: {  	s4 =	sshll.u32 s26, $0x1;
	_ =	strace $0x80000049;
	[dreg:$0x1] =	wrdreg $0xFFFFFFFF  }
0xa7: {  	s28 =	simm.s32 $_size_execute0_lowered;
	s2 =	sadd.s32 s2, s4;
	[dreg:$0x0] =	wrdreg $0x0  }
0xa8: {  	s4 =	sshll.u32 s28, $0x1;
	[dreg:$0x2] =	wrdreg s2  }
0xa9: {  	[dreg:$0x3] =	wrdreg s4  }
0xaa: {  	[dreg:$0x4] =	wrdreg $0xC0  }
0xab: {  	_ =	task [dreg:s6], $0x5FFFF  }
0xac: {  	[dreg:$0x1] =	wrdreg $0xFFFFFFFF  }
0xad: {  	[dreg:$0x0] =	wrdreg $0x60  }
0xae: {  	[dreg:$0x2] =	wrdreg s24  }
0xaf: {  	[dreg:$0x3] =	wrdreg $0xBF000  }
0xb0: {  	[dreg:$0x4] =	wrdreg $0x9  }
0xb1: {  	_ =	task.clear_ibuf [dreg:s6], $0x5FFFF;
	_ =	strace $0x90000049  }
0xb2: {  	s29 =	simm.s32 $0x9;
	_ =	strace $0x8000004B  }
0xb3: {  	_ =	swait.ge [sflag:s29], $0x1  }
0xb4: {  	[sflag:s29] =	ssyncadd.s32 $0xFFFFFFFF  }
0xb5: {  	_ =	strace $0x9000004B  }
0xb6: {  	_ =	sfence  }
0xb7: {  	s30 =	sld [smem:$0x0];
	_ =	sdelay $0x2  }
0xb8: {  	s31 =	sshll.u32 s1, $0xD;
	s1 =	sshrl.u32 s1, $0x2  }
0xb9: {  	s3 =	sand.u32 $0x4000, s31;
	s1 =	sadd.s32 s1, s30  }
0xba: {  	s0 =	sor.u32 s3, s0;
	s1 =	sshll.u32 s1, $0x11  }
0xbb: {  	s0 =	sor.u32 s1, s0  }
0xbc: {  	s0 =	sadd.s32 $0x8F2B, s0  }
0xbd: {  	[sflag:s0] =	ssyncadd.remote.s32 $0x1  }
0xbe: {  	_ =	sfence.sel $0xFFFF  }
0xbf: {  	[dreg:$0x0] =	wrdreg $0xFFFFFFFF;
	(pc) =	sbr.abs _section_cstart, $3  }
0xc0: {  	[dreg:$0x1] =	wrdreg $0xFFFFFFFF  }
0xc1: {  	_ =	task.clear_ibuf [dreg:s6], $0x2FFFF;
	_ =	strace $0x9FFFFFFF  }
0xc2: {  	(tm) =	ssettm $0x7FFFFFFF  }
0xc3: {  	_ =	shalt  }
tec
execute0_lowered:
.L_overlay_start_1:
0x0: {  	(tag) =	ssettag $0x1  }
0x1: {  	s0 =	rddreg [dreg:$0x0];
	s9 =	stileid.u32  }
0x2: {  	s1 =	srdreg.scid;
	s2 =	rddreg [dreg:$0x1]  }
0x3: {  	s15 =	simm.s32 $0x7;
	s16 =	simm.s32 $0x1;
	s17 =	simm.s32 $0x3E00  }
0x4: {  	s18 =	simm.s32 $0x80;
	s19 =	simm.s32 $0x3F00;
	s20 =	simm.s32 $0x3E80  }
0x5: {  	s21 =	simm.s32 $0x7F00;
	s22 =	simm.s32 $0x5;
	s3 =	smul.u32 $0x24, s9  }
0x6: {  	s23 =	simm.s32 $0x2;
	s24 =	simm.s32 $0x6;
	s4 =	smul.u32 $0x7C, s9  }
0x7: {  	s28 =	simm.s32 $0x0;
	s1 =	sand.u32 $0x1, s1;
	s6 =	smul.u32 $0x14000, s9  }
0x8: {  	s26 =	smul.u32 $0x50000, s9;
	s31 =	sshll.u32 s9, $0x6;
	p0 =	seq.s32 s1, $0x0  }
0x9: {  	s25 =	smul.u32 $0x140000, s1;
	s1 =	ssub.s32 $0x2, s1;
	s5 =	sadd.s32 $0x7C0, s3  }
0xa: {  	s3 =	simm.s32 $0x0;
	s7 =	sshrl.u32 s6, $0x3;
	s8 =	sshrl.u32 s1, $0x1  }
0xb: {  	s29 =	sshrl.u32 s26, $0x2;
	s26 =	simm.s32 $0x4;
	s5 =	smov.u32 @p0 s4  }
0xc: {  	[smem:$0x7FF] =	sst s3;
	s7 =	sadd.s32 s7, s0;
	s1 =	ssub.s32 s1, s8  }
0xd: {  	s14 =	sadd.s32 s29, s2;
	s8 =	sor.u32 $0x1C07, s31;
	s4 =	sshll.u32 s5, $0x4  }
0xe: {  	_ =	strace $0x8000004A;
	s5 =	sadd.s32 s6, s25;
	s7 =	sadd.s32 $0xBE00, s7  }
0xf: {  	s12 =	smax.u32 s1, $0x1;
	s14 =	sshrl.u32 s14, $0x3;
	s25 =	simm.s32 $0x3  }
0x10: {  	s13 =	sadd.s32 s4, s0;
	s4 =	sadd.s32 $0x33E00, s0;
	s5 =	sshrl.u32 s5, $0x3  }
0x11: {  	s0 =	sadd.s32 s5, s0;
	s5 =	simm.s32 $0x3D;
	s30 =	sadd.s32 $0x83E00, s13  }
0x12: {  	s9 =	sadd.s32 $0x1E00, s13;
	s10 =	sadd.s32 $0x1E10, s13;
	s13 =	sadd.s32 $0x1E30, s13  }
0x13: {  	s5 =	simm.s32 @!p0 $0x11;
	[dreg:$0x3] =	wrdreg s30;
	s11 =	sadd.s32 $0x8DE00, s0  }
.LBB2_1:
0x14: {  	s0 =	rddreg [dreg:$0x3]  }
0x15: {  	[tilespmem:s3], [sflag:$0x1] =	stream.linear.gather [hbm4b:s0+s3], $0x3E00, $0x38;
	[tilespmem:$0x1FF00] =	vst v63  }
0x16: {  	[spmem:s14], [sflag:s8] =	dma.local [hbm:s7], $0x2800  }
0x17: {  	_ =	swait.ge [sflag:s15], $0x2800  }
0x18: {  	[sflag:s15] =	ssyncset.done $0x0  }
0x19: {  	[sflag:s15] =	ssyncadd.s32 $0xFFFFD800  }
0x1a: {  	_ =	swait.ge [sflag:s16], $0x3E00  }
0x1b: {  	[sflag:s16] =	ssyncset.done $0x0  }
0x1c: {  	[sflag:s16] =	ssyncadd.s32 $0xFFFFC200  }
0x1d: {  	[bflag:$0x0] =	sbarrier.arrive $0xFFFF  }
0x1e: {  	[tilespmem:s17], [sflag:$0x5] =	stream.linear.gather [hbm4b:s9+s3], $0x80, $0x38;
	[tilespmem:$0x1FF00] =	vst v63  }
0x1f: {  	_ = 	snop  }
0x20: {  	[tilespmem:s19], [sflag:$0x1] =	stream.indirect.gather [hbm4b:s4+s18], $0x80, s3, s18, $0xb8;
	[tilespmem:$0x1FF00] =	vst v63  }
0x21: {  	_ = 	snop  }
0x22: {  	[tilespmem:s20], [sflag:$0x6] =	stream.linear.gather [hbm4b:s10+s3], $0x80, $0x38;
	[tilespmem:$0x1FF00] =	vst v63  }
0x23: {  	_ = 	snop  }
0x24: {  	[tilespmem:s21], [sflag:$0x2] =	stream.indirect.gather [hbm4b:s4+s18], $0x80, s18, s18, $0xb8;
	[tilespmem:$0x1FF00] =	vst v63  }
0x25: {  	_ =	swait.ge [sflag:s16], $0x4000  }
0x26: {  	[sflag:s16] =	ssyncset.done $0x0  }
0x27: {  	[sflag:s16] =	ssyncadd.s32 $0xFFFFC000  }
0x28: {  	_ =	swait.ge [sflag:s22], $0x80  }
0x29: {  	[sflag:s22] =	ssyncset.done $0x0  }
0x2a: {  	[sflag:s22] =	ssyncadd.s32 $0xFFFFFF80  }
0x2b: {  	[spmem:s2] =	stream.indirect.scatter.add.f32 [tilespmem:s19], [sflag:$0x3], $0x80, s17, s18, $0xb8;
	[tilespmem:$0x1FF00] =	vst v63  }
0x2c: {  	_ =	swait.ge [sflag:s23], $0x4000  }
0x2d: {  	[sflag:s23] =	ssyncset.done $0x0  }
0x2e: {  	[sflag:s23] =	ssyncadd.s32 $0xFFFFC000  }
0x2f: {  	_ =	swait.ge [sflag:s24], $0x80  }
0x30: {  	[sflag:s24] =	ssyncset.done $0x0  }
0x31: {  	[sflag:s24] =	ssyncadd.s32 $0xFFFFFF80  }
0x32: {  	[spmem:s2] =	stream.indirect.scatter.add.f32 [tilespmem:s21], [sflag:$0x4], $0x80, s20, s18, $0xb8;
	[tilespmem:$0x1FF00] =	vst v63  }
0x33: {  	_ =	swait.ge [sflag:s25], $0x4000  }
0x34: {  	[sflag:s25] =	ssyncset.done $0x0  }
0x35: {  	s1 =	sadd.s32 $0xFFFFFFF0, s13;
	[sflag:s25] =	ssyncadd.s32 $0xFFFFC000  }
0x36: {  	[tilespmem:s17], [sflag:$0x5] =	stream.linear.gather [hbm4b:s1+s3], $0x80, $0x38;
	[tilespmem:$0x1FF00] =	vst v63  }
0x37: {  	s6 =	simm.s32 $0x100;
	p0 =	sne.s32 s5, $0x1  }
0x38: {  	[tilespmem:s19], [sflag:$0x1] =	stream.indirect.gather [hbm4b:s4+s18], $0x80, s6, s18, $0xb8;
	[tilespmem:$0x1FF00] =	vst v63  }
.Ltmp0:
0x39: {  	_ = 	snop;
	(pc) =	sbr.rel @!p0 .LBB2_3-.Ltmp0, $4  }
0x3a: {  	s31 =	simm.s32 $0x1;
	_ =	swait.ge [sflag:s26], $0x4000  }
0x3b: {  	s29 =	simm.s32 $0x280;
	s30 =	sadd.s32 $0x20, s13;
	[sflag:s26] =	ssyncset.done $0x0  }
0x3c: {  	s0 =	simm.s32 $0x180;
	s1 =	simm.s32 $0x180;
	[sflag:s26] =	ssyncadd.s32 $0xFFFFC000  }
0x3d: {  	[tilespmem:s20], [sflag:$0x6] =	stream.linear.gather [hbm4b:s13+s3], $0x80, $0x38;
	[tilespmem:$0x1FF00] =	vst v63  }
.LBB2_2:
0x3e: {  	s1 =	smov.u32 s29  }
0x3f: {  	[tilespmem:s21], [sflag:$0x2] =	stream.indirect.gather [hbm4b:s4+s18], $0x80, s0, s18, $0xb8;
	[tilespmem:$0x1FF00] =	vst v63  }
0x40: {  	s31 =	sadd.s32 $0x1, s31;
	s0 =	smov.u32 s29;
	_ =	swait.ge [sflag:s16], $0x4000  }
0x41: {  	p0 =	sne.s32 s5, s31;
	[sflag:s16] =	ssyncset.done $0x0  }
0x42: {  	[sflag:s16] =	ssyncadd.s32 $0xFFFFC000  }
0x43: {  	_ =	swait.ge [sflag:s22], $0x80  }
0x44: {  	[sflag:s22] =	ssyncset.done $0x0  }
0x45: {  	[sflag:s22] =	ssyncadd.s32 $0xFFFFFF80  }
0x46: {  	[spmem:s2] =	stream.indirect.scatter.add.f32 [tilespmem:s19], [sflag:$0x3], $0x80, s17, s18, $0xb8;
	[tilespmem:$0x1FF00] =	vst v63  }
0x47: {  	_ =	swait.ge [sflag:s23], $0x4000  }
0x48: {  	[sflag:s23] =	ssyncset.done $0x0  }
0x49: {  	[sflag:s23] =	ssyncadd.s32 $0xFFFFC000  }
0x4a: {  	_ =	swait.ge [sflag:s24], $0x80  }
0x4b: {  	[sflag:s24] =	ssyncset.done $0x0  }
0x4c: {  	[sflag:s24] =	ssyncadd.s32 $0xFFFFFF80  }
0x4d: {  	[spmem:s2] =	stream.indirect.scatter.add.f32 [tilespmem:s21], [sflag:$0x4], $0x80, s20, s18, $0xb8;
	[tilespmem:$0x1FF00] =	vst v63  }
0x4e: {  	_ =	swait.ge [sflag:s25], $0x4000  }
0x4f: {  	[sflag:s25] =	ssyncset.done $0x0  }
0x50: {  	s6 =	sadd.s32 $0xFFFFFFF0, s30;
	[sflag:s25] =	ssyncadd.s32 $0xFFFFC000  }
0x51: {  	[tilespmem:s17], [sflag:$0x5] =	stream.linear.gather [hbm4b:s6+s3], $0x80, $0x38;
	[tilespmem:$0x1FF00] =	vst v63  }
0x52: {  	s6 =	sadd.s32 $0xFFFFFF80, s29  }
0x53: {  	[tilespmem:s19], [sflag:$0x1] =	stream.indirect.gather [hbm4b:s4+s18], $0x80, s6, s18, $0xb8;
	[tilespmem:$0x1FF00] =	vst v63  }
.Ltmp1:
0x54: {  	_ =	swait.ge [sflag:s26], $0x4000;
	(pc) =	sbr.rel @p0 .LBB2_2-.Ltmp1, $4  }
0x55: {  	[sflag:s26] =	ssyncset.done $0x0  }
0x56: {  	[sflag:s26] =	ssyncadd.s32 $0xFFFFC000  }
0x57: {  	[tilespmem:s20], [sflag:$0x6] =	stream.linear.gather [hbm4b:s30+s3], $0x80, $0x38;
	[tilespmem:$0x1FF00] =	vst v63  }
0x58: {  	s29 =	sadd.s32 $0x100, s29;
	s30 =	sadd.s32 $0x20, s30  }
.LBB2_3:
0x59: {  	[tilespmem:s21], [sflag:$0x2] =	stream.indirect.gather [hbm4b:s4+s18], $0x80, s0, s18, $0xb8;
	[tilespmem:$0x1FF00] =	vst v63  }
0x5a: {  	_ =	swait.ge [sflag:s16], $0x4000  }
0x5b: {  	[sflag:s16] =	ssyncset.done $0x0  }
0x5c: {  	[sflag:s16] =	ssyncadd.s32 $0xFFFFC000  }
0x5d: {  	_ =	swait.ge [sflag:s22], $0x80  }
0x5e: {  	[sflag:s22] =	ssyncset.done $0x0  }
0x5f: {  	[sflag:s22] =	ssyncadd.s32 $0xFFFFFF80  }
0x60: {  	[spmem:s2] =	stream.indirect.scatter.add.f32 [tilespmem:s19], [sflag:$0x3], $0x80, s17, s18, $0xb8;
	[tilespmem:$0x1FF00] =	vst v63  }
0x61: {  	_ =	swait.ge [sflag:s23], $0x4000  }
0x62: {  	[sflag:s23] =	ssyncset.done $0x0  }
0x63: {  	[sflag:s23] =	ssyncadd.s32 $0xFFFFC000  }
0x64: {  	_ =	swait.ge [sflag:s24], $0x80  }
0x65: {  	[sflag:s24] =	ssyncset.done $0x0  }
0x66: {  	[sflag:s24] =	ssyncadd.s32 $0xFFFFFF80  }
0x67: {  	[spmem:s2] =	stream.indirect.scatter.add.f32 [tilespmem:s21], [sflag:$0x4], $0x80, s20, s18, $0xb8;
	[tilespmem:$0x1FF00] =	vst v63  }
0x68: {  	p0 =	slt.u32 s31, s5;
	_ =	swait.ge [sflag:s25], $0x4000  }
0x69: {  	s0 =	sadd.s32 @p0 $0xFFFFFFF0, s30;
	[sflag:s25] =	ssyncset.done $0x0  }
0x6a: {  	s6 =	simm.s32 @p0 $0x0;
	s31 =	simm.s32 @p0 $0x3E00;
	[sflag:s25] =	ssyncadd.s32 $0xFFFFC000  }
0x6b: {  	[tilespmem:s31], [sflag:$0x5] =	stream.linear.gather @p0 [hbm4b:s0+s6], $0x80, $0x38;
	[tilespmem:$0x1FF00] =	vst v63  }
0x6c: {  	s0 =	sadd.s32 @p0 $0x80, s1;
	s1 =	simm.s32 @p0 $0x80;
	s31 =	simm.s32 @p0 $0x3F00  }
0x6d: {  	[tilespmem:s31], [sflag:$0x1] =	stream.indirect.gather @p0 [hbm4b:s4+s1], $0x80, s0, s1, $0xb8;
	[tilespmem:$0x1FF00] =	vst v63  }
0x6e: {  	s0 =	simm.s32 @p0 $0x4  }
0x6f: {  	_ =	swait.ge @p0 [sflag:s0], $0x4000  }
0x70: {  	[sflag:s0] =	ssyncset.done @p0 $0x0  }
0x71: {  	[sflag:s0] =	ssyncadd.s32 @p0 $0xFFFFC000;
	s0 =	simm.s32 @p0 $0x3E80  }
0x72: {  	[tilespmem:s0], [sflag:$0x6] =	stream.linear.gather @p0 [hbm4b:s30+s6], $0x80, $0x38;
	[tilespmem:$0x1FF00] =	vst v63  }
0x73: {  	s0 =	simm.s32 @p0 $0x7F00  }
0x74: {  	[tilespmem:s0], [sflag:$0x2] =	stream.indirect.gather @p0 [hbm4b:s4+s1], $0x80, s29, s1, $0xb8;
	[tilespmem:$0x1FF00] =	vst v63  }
0x75: {  	s0 =	simm.s32 @!p0 $0x4  }
0x76: {  	_ =	swait.ge @!p0 [sflag:s0], $0x4000  }
0x77: {  	s28 =	sadd.s32 $0x1, s28;
	[sflag:s0] =	ssyncset.done @!p0 $0x0  }
0x78: {  	[sflag:s0] =	ssyncadd.s32 @!p0 $0xFFFFC000;
	p0 =	sne.s32 s28, s12  }
.Ltmp2:
0x79: {  	[bflag:$0x0] =	sbarrier.arrive $0xFFFF;
	(pc) =	sbr.rel @p0 .LBB2_1-.Ltmp2, $4  }
0x7a: {  	[hbm:s11], [sflag:s8] =	dma.local [spmem:s14], $0x2800  }
0x7b: {  	_ =	swait.ge [sflag:s15], $0x2800  }
0x7c: {  	[sflag:s15] =	ssyncset.done $0x0  }
0x7d: {  	[sflag:s15] =	ssyncadd.s32 $0xFFFFD800  }
0x7e: {  	_ =	sfence.sel $0x180000  }
0x7f: {  	[bflag:$0x0] =	sbarrier.arrive $0xFFFF  }
0x80: {  	_ =	strace $0x9000004A  }
0x81: {  	s0 =	stileid.u32;
	[bflag:$0x2] =	sbarrier.arrive $0xFFFF  }
0x82: {  	p0 =	sne.s32 s0, $0x0;
	s0 =	rddreg [dreg:$0x2]  }
0x83: {  	s0 =	sadd.s32 @!p0 $0x100000, s0  }
0x84: {  	[sflag:s0] =	ssyncadd.tile.s32 @!p0 $0x1;
	_ =	shalt  }
.Lfunc_end2:
_tile_overlayer_lowered:
.L_overlay_start_2:
0x85: {  	(tag) =	ssettag $0x2  }
0x86: {  	s0 =	rddreg [dreg:$0x0];
	s2 =	stileid.u32  }
0x87: {  	s1 =	rddreg [dreg:$0x1];
	p0 =	sne.s32 s2, $0x0  }
0x88: {  	s3 =	rddreg [dreg:$0x2];
	[bflag:$0x3] =	sbarrier.arrive $0xFFFF;
	s2 =	simm.s32 @!p0 $0x1C07  }
0x89: {  	[timem:s3], [sflag:s2] =	dma.local @!p0 [hbm:s0], s1  }
0x8a: {  	s0 =	simm.s32 @!p0 $0x7  }
0x8b: {  	_ =	swait.ge @!p0 [sflag:s0], s1  }
0x8c: {  	s1 =	ssub.s32 @!p0 $0x0, s1;
	[sflag:s0] =	ssyncset.done @!p0 $0x0  }
0x8d: {  	[sflag:s0] =	ssyncadd.s32 @!p0 s1  }
0x8e: {  	[bflag:$0x3] =	sbarrier.arrive $0xFFFF  }
0x8f: {  	_ =	shalt  }

// kernel: kernel.14.cloned.1.call-start
scs
__scs_entry_jumppad:
0x0: {  	(pc) =	sbr.rel $0x88, $3  }
0x1: {  	(tag) =	ssettag $0x0;
	lr =	simm.s32 $0x1  }
0x2: {  	[smem:$0x3F9B] =	sst lr;
	_ =	strace $0xD0000000  }
0x3: {  	_ = 	snop  }
0x4: {  	_ = 	snop  }
0x5: {  	_ = 	snop  }
0x6: {  	_ = 	snop  }
0x7: {  	_ = 	snop  }
__scs_overlays_trampoline_lowered:
0x8: {  	[smem:$0x3FAA] =	sst s0  }
0x9: {  	[smem:$0x3FAB] =	sst s1  }
0xa: {  	[smem:$0x3FAC] =	sst s2  }
0xb: {  	[smem:$0x3FAD] =	sst s3  }
0xc: {  	[smem:$0x3FAE] =	sst s4  }
0xd: {  	[smem:$0x3FAF] =	sst s5  }
0xe: {  	[smem:$0x3FB0] =	sst s6  }
0xf: {  	[smem:$0x3FB1] =	sst s7  }
0x10: {  	[smem:$0x3FB2] =	sst s8  }
0x11: {  	[smem:$0x3FB3] =	sst s9;
	s0 =	simm.s32 @!p0 $0x0  }
0x12: {  	s1 =	sld [smem:$0x3F99];
	s0 =	simm.s32 @p0 $0x1  }
0x13: {  	[smem:$0x3FB4] =	sst s0;
	s0 =	simm.s32 @!p1 $0x0  }
0x14: {  	s2 =	sld [smem:$0x3F98];
	s0 =	simm.s32 @p1 $0x1  }
0x15: {  	[smem:$0x3FB5] =	sst s0;
	s0 =	simm.s32 @!p2 $0x0  }
0x16: {  	s3 =	sld [smem:$0x3FDB];
	s0 =	simm.s32 @p2 $0x1  }
0x17: {  	s4 =	simm.s32 $0x1BF5;
	[smem:$0x3FB7] =	sst s0  }
0x18: {  	s0 =	sld [smem:$0x3F9A];
	_ =	swait.ge [sflag:s4], $0x0  }
0x19: {  	s7 =	sld [smem:$0x3F9B]  }
0x1a: {  	s8 =	sadd.s32 $0xFFFFE003, lr  }
0x1b: {  	s9 =	sadd.s32 $0xFFFFFEF7, lr;
	s5 =	simm.s32 $0xFFFFFFFF;
	p2 =	slt.u32 s8, $0xFFFFF086  }
0x1c: {  	p1 =	slt.u32 s9, $0xF7A;
	s5 =	simm.s32 @!p2 $0x0  }
0x1d: {  	s5 =	simm.s32 @p1 $0x1;
	p0 =	seq.s32 s7, s2  }
0x1e: {  	s7 =	smul.u32 @!p0 $0xF7A, s2;
	p2 =	seq.s32 @!p0 s5, $0x0  }
0x1f: {  	s9 =	smul.u32 $0xF7A, s1;
	s8 =	simm.s32 @!p0 $0x1BF5;
	p2 =	por !p2, p0  }
0x20: {  	[sflag:s8] =	ssyncset.s32 @!p0 $0xFFFFF086;
	s6 =	sadd.s32 @!p0 s3, s7;
	s7 =	simm.s32 @!p0 $0x108  }
0x21: {  	s3 =	sadd.s32 s3, s9;
	s6 =	sadd.s32 @!p0 $0x88, s6;
	s7 =	simm.s32 @p2 $0x1082  }
0x22: {  	[simem:s7], [sflag:s8] =	dma.local @!p0 [hbm:s6], $0xF7A  }
0x23: {  	s9 =	sor.u32 $0xD0000000, s2;
	s6 =	simm.s32 $0x108;
	_ =	swait.ge @!p0 [sflag:s8], $0x0  }
0x24: {  	s3 =	sadd.s32 $0x88, s3;
	s6 =	simm.s32 @!p1 $0x1082;
	[sflag:s4] =	ssyncset.s32 $0xFFFFF086  }
0x25: {  	[simem:s6], [sflag:s4] =	dma.local [hbm:s3], $0xF7A  }
0x26: {  	[smem:$0x3F9B] =	sst s1;
	(tag) =	ssettag s2;
	_ =	strace s9  }
0x27: {  	s1 =	sld [smem:$0x3FAB]  }
0x28: {  	s2 =	sld [smem:$0x3FAC]  }
0x29: {  	s4 =	sld [smem:$0x3FAE]  }
0x2a: {  	p0 =	seq.s32 s5, $0x0;
	s5 =	sld [smem:$0x3FAF]  }
0x2b: {  	s6 =	sld [smem:$0x3FB0]  }
0x2c: {  	s7 =	sld [smem:$0x3FB1]  }
0x2d: {  	s3 =	simm.s32 $0x108;
	s8 =	sld [smem:$0x3FB2]  }
0x2e: {  	s3 =	simm.s32 @!p0 $0x1082;
	s9 =	sld [smem:$0x3FB3]  }
0x2f: {  	lr =	sadd.s32 s0, s3;
	s0 =	sld [smem:$0x3FAA]  }
0x30: {  	s3 =	sld [smem:$0x3FAD]  }
0x31: {  	[smem:$0x3FB6] =	sst s10  }
0x32: {  	s10 =	sld [smem:$0x3FB4];
	_ =	sdelay $0x3  }
0x33: {  	p0 =	seq.s32 s10, $0x1;
	s10 =	sld [smem:$0x3FB6];
	_ =	sdelay $0x3  }
0x34: {  	[smem:$0x3FB6] =	sst s10  }
0x35: {  	s10 =	sld [smem:$0x3FB5];
	_ =	sdelay $0x3  }
0x36: {  	p1 =	seq.s32 s10, $0x1;
	s10 =	sld [smem:$0x3FB6];
	_ =	sdelay $0x3  }
0x37: {  	[smem:$0x3FB6] =	sst s10  }
0x38: {  	s10 =	sld [smem:$0x3FB7]  }
0x39: {  	_ = 	snop;
	(pc) =	sbr.ind lr, $3  }
0x3a: {  	_ = 	snop  }
0x3b: {  	_ = 	snop  }
0x3c: {  	p2 =	seq.s32 s10, $0x1;
	s10 =	sld [smem:$0x3FB6]  }
0x3d: {  	_ =	shalt  }
0x3e: {  	_ =	shalt  }
0x3f: {  	_ =	shalt  }
0x40: {  	_ =	shalt  }
0x41: {  	_ =	shalt  }
0x42: {  	_ =	shalt  }
0x43: {  	_ =	shalt  }
0x44: {  	_ =	shalt  }
0x45: {  	_ =	shalt  }
0x46: {  	_ =	shalt  }
0x47: {  	_ =	shalt  }
0x48: {  	_ =	shalt  }
0x49: {  	_ =	shalt  }
0x4a: {  	_ =	shalt  }
0x4b: {  	_ =	shalt  }
0x4c: {  	_ =	shalt  }
0x4d: {  	_ =	shalt  }
0x4e: {  	_ =	shalt  }
0x4f: {  	_ =	shalt  }
0x50: {  	_ =	shalt  }
0x51: {  	_ =	shalt  }
0x52: {  	_ =	shalt  }
0x53: {  	_ =	shalt  }
0x54: {  	_ =	shalt  }
0x55: {  	_ =	shalt  }
0x56: {  	_ =	shalt  }
0x57: {  	_ =	shalt  }
0x58: {  	_ =	shalt  }
0x59: {  	_ =	shalt  }
0x5a: {  	_ =	shalt  }
0x5b: {  	_ =	shalt  }
0x5c: {  	_ =	shalt  }
0x5d: {  	_ =	shalt  }
0x5e: {  	_ =	shalt  }
0x5f: {  	_ =	shalt  }
0x60: {  	_ =	shalt  }
0x61: {  	_ =	shalt  }
0x62: {  	_ =	shalt  }
0x63: {  	_ =	shalt  }
0x64: {  	_ =	shalt  }
0x65: {  	_ =	shalt  }
0x66: {  	_ =	shalt  }
0x67: {  	_ =	shalt  }
0x68: {  	_ =	shalt  }
0x69: {  	_ =	shalt  }
0x6a: {  	_ =	shalt  }
0x6b: {  	_ =	shalt  }
0x6c: {  	_ =	shalt  }
0x6d: {  	_ =	shalt  }
0x6e: {  	_ =	shalt  }
0x6f: {  	_ =	shalt  }
0x70: {  	_ =	shalt  }
0x71: {  	_ =	shalt  }
0x72: {  	_ =	shalt  }
0x73: {  	_ =	shalt  }
0x74: {  	_ =	shalt  }
0x75: {  	_ =	shalt  }
0x76: {  	_ =	shalt  }
0x77: {  	_ =	shalt  }
0x78: {  	_ =	shalt  }
0x79: {  	_ =	shalt  }
0x7a: {  	_ =	shalt  }
0x7b: {  	_ =	shalt  }
0x7c: {  	_ =	shalt  }
0x7d: {  	_ =	shalt  }
0x7e: {  	_ =	shalt  }
0x7f: {  	_ =	shalt  }
0x80: {  	_ =	shalt  }
0x81: {  	_ =	shalt  }
0x82: {  	_ =	shalt  }
0x83: {  	_ =	shalt  }
0x84: {  	_ =	shalt  }
0x85: {  	_ =	shalt  }
0x86: {  	_ =	shalt  }
0x87: {  	_ =	shalt  }
.Lfunc_end0:
.L_simem_size_0:
called_computation.2_lowered:
.L_overlay_start_0:
0x88: {  	s2 =	sld [smem:$0x3FD9]  }
0x89: {  	s3 =	sld [smem:$0x3FFE];
	_ =	sdelay $0x1  }
0x8a: {  	s1 =	srdreg.scid  }
0x8b: {  	s0 =	sand.u32 $0x1, s1  }
0x8c: {  	s16 =	sshll.u32 s0, $0xA;
	s2 =	sadd.s32 s3, s2  }
0x8d: {  	s2 =	sadd.s32 s2, s16  }
0x8e: {  	[smem:$0x3FC2] =	sst s2  }
0x8f: {  	_ = 	snop  }
0x90: {  	(tm) =	ssettm $0x1  }
0x91: {  	s17 =	sld [smem:$0x3FFB];
	_ =	sdelay $0x3  }
0x92: {  	_ =	strace s17  }
0x93: {  	s2 =	sld [smem:$0x3FFC];
	_ =	sdelay $0x3  }
0x94: {  	_ =	strace s2  }
0x95: {  	s2 =	sld [smem:$0x3FFD];
	_ =	sdelay $0x3  }
0x96: {  	_ =	strace s2  }
0x97: {  	_ =	strace $0x8FFFFFFF  }
0x98: {  	s18 =	sld [smem:$0x3FDB];
	_ =	sdelay $0x1  }
0x99: {  	s19 =	simm.s32 $_scs_section_size  }
0x9a: {  	s4 =	simm.s32 $_size__tile_overlayer_lowered;
	s5 =	simm.s32 $_tile_overlayer_lowered  }
0x9b: {  	s22 =	simm.s32 $0x1BFF;
	s21 =	sshll.u32 s5, $0x1;
	s2 =	sadd.s32 s19, s18  }
0x9c: {  	s6 =	simm.s32 $0x0;
	s20 =	sshll.u32 s4, $0x1;
	s4 =	sadd.s32 s21, s2  }
0x9d: {  	[timem:s6], [sflag:s22] =	dma.local [hbm:s4], s20  }
0x9e: {  	_ =	swait.ge [sflag:s22], s20  }
0x9f: {  	s3 =	ssub.s32 $0x0, s20;
	[sflag:s22] =	ssyncset.done $0x0  }
0xa0: {  	[sflag:s22] =	ssyncadd.s32 s3;
	_ =	sdelay $0x1  }
0xa1: {  	s23 =	simm.s32 $0x1B8B  }
0xa2: {  	_ =	swait.ge [sflag:s23], $0x1  }
0xa3: {  	[sflag:s23] =	ssyncset.done $0x0  }
0xa4: {  	s25 =	simm.s32 $0x1B8E;
	s24 =	sld [smem:$0x3FFE];
	[sflag:s23] =	ssyncadd.s32 $0xFFFFFFFF  }
0xa5: {  	s26 =	simm.s32 $execute0_lowered;
	[smem:$0x3FD2] =	sst s25  }
0xa6: {  	s4 =	sshll.u32 s26, $0x1;
	_ =	strace $0x8000004C;
	[dreg:$0x1] =	wrdreg $0xFFFFFFFF  }
0xa7: {  	s28 =	simm.s32 $_size_execute0_lowered;
	s2 =	sadd.s32 s2, s4;
	[dreg:$0x0] =	wrdreg $0x0  }
0xa8: {  	s4 =	sshll.u32 s28, $0x1;
	[dreg:$0x2] =	wrdreg s2  }
0xa9: {  	[dreg:$0x3] =	wrdreg s4  }
0xaa: {  	[dreg:$0x4] =	wrdreg $0xC0  }
0xab: {  	_ =	task [dreg:s6], $0x5FFFF  }
0xac: {  	[dreg:$0x1] =	wrdreg $0xFFFFFFFF  }
0xad: {  	[dreg:$0x0] =	wrdreg $0x60  }
0xae: {  	[dreg:$0x2] =	wrdreg s24  }
0xaf: {  	[dreg:$0x3] =	wrdreg $0xBF000  }
0xb0: {  	[dreg:$0x4] =	wrdreg $0x9  }
0xb1: {  	_ =	task.clear_ibuf [dreg:s6], $0x5FFFF;
	_ =	strace $0x9000004C  }
0xb2: {  	s29 =	simm.s32 $0x9;
	_ =	strace $0x8000004E  }
0xb3: {  	_ =	swait.ge [sflag:s29], $0x1  }
0xb4: {  	[sflag:s29] =	ssyncadd.s32 $0xFFFFFFFF  }
0xb5: {  	_ =	strace $0x9000004E  }
0xb6: {  	_ =	sfence  }
0xb7: {  	s30 =	sld [smem:$0x0];
	_ =	sdelay $0x2  }
0xb8: {  	s31 =	sshll.u32 s1, $0xD;
	s1 =	sshrl.u32 s1, $0x2  }
0xb9: {  	s3 =	sand.u32 $0x4000, s31;
	s1 =	sadd.s32 s1, s30  }
0xba: {  	s0 =	sor.u32 s3, s0;
	s1 =	sshll.u32 s1, $0x11  }
0xbb: {  	s0 =	sor.u32 s1, s0  }
0xbc: {  	s0 =	sadd.s32 $0x8F2B, s0  }
0xbd: {  	[sflag:s0] =	ssyncadd.remote.s32 $0x1  }
0xbe: {  	_ =	sfence.sel $0xFFFF  }
0xbf: {  	[dreg:$0x0] =	wrdreg $0xFFFFFFFF;
	(pc) =	sbr.abs _section_cstart, $3  }
0xc0: {  	[dreg:$0x1] =	wrdreg $0xFFFFFFFF  }
0xc1: {  	_ =	task.clear_ibuf [dreg:s6], $0x2FFFF;
	_ =	strace $0x9FFFFFFF  }
0xc2: {  	(tm) =	ssettm $0x7FFFFFFF  }
0xc3: {  	_ =	shalt  }
tec
execute0_lowered:
.L_overlay_start_1:
0x0: {  	(tag) =	ssettag $0x1  }
0x1: {  	s0 =	rddreg [dreg:$0x0];
	s9 =	stileid.u32  }
0x2: {  	s1 =	srdreg.scid;
	s2 =	rddreg [dreg:$0x1]  }
0x3: {  	s15 =	simm.s32 $0x7;
	s16 =	simm.s32 $0x1;
	s17 =	simm.s32 $0x3E00  }
0x4: {  	s18 =	simm.s32 $0x80;
	s19 =	simm.s32 $0x3F00;
	s20 =	simm.s32 $0x3E80  }
0x5: {  	s21 =	simm.s32 $0x7F00;
	s22 =	simm.s32 $0x5;
	s3 =	smul.u32 $0x24, s9  }
0x6: {  	s23 =	simm.s32 $0x2;
	s24 =	simm.s32 $0x6;
	s4 =	smul.u32 $0x7C, s9  }
0x7: {  	s28 =	simm.s32 $0x0;
	s1 =	sand.u32 $0x1, s1;
	s6 =	smul.u32 $0x14000, s9  }
0x8: {  	s26 =	smul.u32 $0x50000, s9;
	s31 =	sshll.u32 s9, $0x6;
	p0 =	seq.s32 s1, $0x0  }
0x9: {  	s25 =	smul.u32 $0x140000, s1;
	s1 =	ssub.s32 $0x2, s1;
	s5 =	sadd.s32 $0x7C0, s3  }
0xa: {  	s3 =	simm.s32 $0x0;
	s7 =	sshrl.u32 s6, $0x3;
	s8 =	sshrl.u32 s1, $0x1  }
0xb: {  	s29 =	sshrl.u32 s26, $0x2;
	s26 =	simm.s32 $0x4;
	s5 =	smov.u32 @p0 s4  }
0xc: {  	[smem:$0x7FF] =	sst s3;
	s7 =	sadd.s32 s7, s0;
	s1 =	ssub.s32 s1, s8  }
0xd: {  	s14 =	sadd.s32 s29, s2;
	s8 =	sor.u32 $0x1C07, s31;
	s4 =	sshll.u32 s5, $0x4  }
0xe: {  	_ =	strace $0x8000004D;
	s5 =	sadd.s32 s6, s25;
	s7 =	sadd.s32 $0xBE00, s7  }
0xf: {  	s12 =	smax.u32 s1, $0x1;
	s14 =	sshrl.u32 s14, $0x3;
	s25 =	simm.s32 $0x3  }
0x10: {  	s13 =	sadd.s32 s4, s0;
	s4 =	sadd.s32 $0x33E00, s0;
	s5 =	sshrl.u32 s5, $0x3  }
0x11: {  	s0 =	sadd.s32 s5, s0;
	s5 =	simm.s32 $0x3D;
	s30 =	sadd.s32 $0x83E00, s13  }
0x12: {  	s9 =	sadd.s32 $0x1E00, s13;
	s10 =	sadd.s32 $0x1E10, s13;
	s13 =	sadd.s32 $0x1E30, s13  }
0x13: {  	s5 =	simm.s32 @!p0 $0x11;
	[dreg:$0x3] =	wrdreg s30;
	s11 =	sadd.s32 $0x8DE00, s0  }
.LBB2_1:
0x14: {  	s0 =	rddreg [dreg:$0x3]  }
0x15: {  	[tilespmem:s3], [sflag:$0x1] =	stream.linear.gather [hbm4b:s0+s3], $0x3E00, $0x38;
	[tilespmem:$0x1FF00] =	vst v63  }
0x16: {  	[spmem:s14], [sflag:s8] =	dma.local [hbm:s7], $0x2800  }
0x17: {  	_ =	swait.ge [sflag:s15], $0x2800  }
0x18: {  	[sflag:s15] =	ssyncset.done $0x0  }
0x19: {  	[sflag:s15] =	ssyncadd.s32 $0xFFFFD800  }
0x1a: {  	_ =	swait.ge [sflag:s16], $0x3E00  }
0x1b: {  	[sflag:s16] =	ssyncset.done $0x0  }
0x1c: {  	[sflag:s16] =	ssyncadd.s32 $0xFFFFC200  }
0x1d: {  	[bflag:$0x0] =	sbarrier.arrive $0xFFFF  }
0x1e: {  	[tilespmem:s17], [sflag:$0x5] =	stream.linear.gather [hbm4b:s9+s3], $0x80, $0x38;
	[tilespmem:$0x1FF00] =	vst v63  }
0x1f: {  	_ = 	snop  }
0x20: {  	[tilespmem:s19], [sflag:$0x1] =	stream.indirect.gather [hbm4b:s4+s18], $0x80, s3, s18, $0xb8;
	[tilespmem:$0x1FF00] =	vst v63  }
0x21: {  	_ = 	snop  }
0x22: {  	[tilespmem:s20], [sflag:$0x6] =	stream.linear.gather [hbm4b:s10+s3], $0x80, $0x38;
	[tilespmem:$0x1FF00] =	vst v63  }
0x23: {  	_ = 	snop  }
0x24: {  	[tilespmem:s21], [sflag:$0x2] =	stream.indirect.gather [hbm4b:s4+s18], $0x80, s18, s18, $0xb8;
	[tilespmem:$0x1FF00] =	vst v63  }
0x25: {  	_ =	swait.ge [sflag:s16], $0x4000  }
0x26: {  	[sflag:s16] =	ssyncset.done $0x0  }
0x27: {  	[sflag:s16] =	ssyncadd.s32 $0xFFFFC000  }
0x28: {  	_ =	swait.ge [sflag:s22], $0x80  }
0x29: {  	[sflag:s22] =	ssyncset.done $0x0  }
0x2a: {  	[sflag:s22] =	ssyncadd.s32 $0xFFFFFF80  }
0x2b: {  	[spmem:s2] =	stream.indirect.scatter.add.f32 [tilespmem:s19], [sflag:$0x3], $0x80, s17, s18, $0xb8;
	[tilespmem:$0x1FF00] =	vst v63  }
0x2c: {  	_ =	swait.ge [sflag:s23], $0x4000  }
0x2d: {  	[sflag:s23] =	ssyncset.done $0x0  }
0x2e: {  	[sflag:s23] =	ssyncadd.s32 $0xFFFFC000  }
0x2f: {  	_ =	swait.ge [sflag:s24], $0x80  }
0x30: {  	[sflag:s24] =	ssyncset.done $0x0  }
0x31: {  	[sflag:s24] =	ssyncadd.s32 $0xFFFFFF80  }
0x32: {  	[spmem:s2] =	stream.indirect.scatter.add.f32 [tilespmem:s21], [sflag:$0x4], $0x80, s20, s18, $0xb8;
	[tilespmem:$0x1FF00] =	vst v63  }
0x33: {  	_ =	swait.ge [sflag:s25], $0x4000  }
0x34: {  	[sflag:s25] =	ssyncset.done $0x0  }
0x35: {  	s1 =	sadd.s32 $0xFFFFFFF0, s13;
	[sflag:s25] =	ssyncadd.s32 $0xFFFFC000  }
0x36: {  	[tilespmem:s17], [sflag:$0x5] =	stream.linear.gather [hbm4b:s1+s3], $0x80, $0x38;
	[tilespmem:$0x1FF00] =	vst v63  }
0x37: {  	s6 =	simm.s32 $0x100;
	p0 =	sne.s32 s5, $0x1  }
0x38: {  	[tilespmem:s19], [sflag:$0x1] =	stream.indirect.gather [hbm4b:s4+s18], $0x80, s6, s18, $0xb8;
	[tilespmem:$0x1FF00] =	vst v63  }
.Ltmp0:
0x39: {  	_ = 	snop;
	(pc) =	sbr.rel @!p0 .LBB2_3-.Ltmp0, $4  }
0x3a: {  	s31 =	simm.s32 $0x1;
	_ =	swait.ge [sflag:s26], $0x4000  }
0x3b: {  	s29 =	simm.s32 $0x280;
	s30 =	sadd.s32 $0x20, s13;
	[sflag:s26] =	ssyncset.done $0x0  }
0x3c: {  	s0 =	simm.s32 $0x180;
	s1 =	simm.s32 $0x180;
	[sflag:s26] =	ssyncadd.s32 $0xFFFFC000  }
0x3d: {  	[tilespmem:s20], [sflag:$0x6] =	stream.linear.gather [hbm4b:s13+s3], $0x80, $0x38;
	[tilespmem:$0x1FF00] =	vst v63  }
.LBB2_2:
0x3e: {  	s1 =	smov.u32 s29  }
0x3f: {  	[tilespmem:s21], [sflag:$0x2] =	stream.indirect.gather [hbm4b:s4+s18], $0x80, s0, s18, $0xb8;
	[tilespmem:$0x1FF00] =	vst v63  }
0x40: {  	s31 =	sadd.s32 $0x1, s31;
	s0 =	smov.u32 s29;
	_ =	swait.ge [sflag:s16], $0x4000  }
0x41: {  	p0 =	sne.s32 s5, s31;
	[sflag:s16] =	ssyncset.done $0x0  }
0x42: {  	[sflag:s16] =	ssyncadd.s32 $0xFFFFC000  }
0x43: {  	_ =	swait.ge [sflag:s22], $0x80  }
0x44: {  	[sflag:s22] =	ssyncset.done $0x0  }
0x45: {  	[sflag:s22] =	ssyncadd.s32 $0xFFFFFF80  }
0x46: {  	[spmem:s2] =	stream.indirect.scatter.add.f32 [tilespmem:s19], [sflag:$0x3], $0x80, s17, s18, $0xb8;
	[tilespmem:$0x1FF00] =	vst v63  }
0x47: {  	_ =	swait.ge [sflag:s23], $0x4000  }
0x48: {  	[sflag:s23] =	ssyncset.done $0x0  }
0x49: {  	[sflag:s23] =	ssyncadd.s32 $0xFFFFC000  }
0x4a: {  	_ =	swait.ge [sflag:s24], $0x80  }
0x4b: {  	[sflag:s24] =	ssyncset.done $0x0  }
0x4c: {  	[sflag:s24] =	ssyncadd.s32 $0xFFFFFF80  }
0x4d: {  	[spmem:s2] =	stream.indirect.scatter.add.f32 [tilespmem:s21], [sflag:$0x4], $0x80, s20, s18, $0xb8;
	[tilespmem:$0x1FF00] =	vst v63  }
0x4e: {  	_ =	swait.ge [sflag:s25], $0x4000  }
0x4f: {  	[sflag:s25] =	ssyncset.done $0x0  }
0x50: {  	s6 =	sadd.s32 $0xFFFFFFF0, s30;
	[sflag:s25] =	ssyncadd.s32 $0xFFFFC000  }
0x51: {  	[tilespmem:s17], [sflag:$0x5] =	stream.linear.gather [hbm4b:s6+s3], $0x80, $0x38;
	[tilespmem:$0x1FF00] =	vst v63  }
0x52: {  	s6 =	sadd.s32 $0xFFFFFF80, s29  }
0x53: {  	[tilespmem:s19], [sflag:$0x1] =	stream.indirect.gather [hbm4b:s4+s18], $0x80, s6, s18, $0xb8;
	[tilespmem:$0x1FF00] =	vst v63  }
.Ltmp1:
0x54: {  	_ =	swait.ge [sflag:s26], $0x4000;
	(pc) =	sbr.rel @p0 .LBB2_2-.Ltmp1, $4  }
0x55: {  	[sflag:s26] =	ssyncset.done $0x0  }
0x56: {  	[sflag:s26] =	ssyncadd.s32 $0xFFFFC000  }
0x57: {  	[tilespmem:s20], [sflag:$0x6] =	stream.linear.gather [hbm4b:s30+s3], $0x80, $0x38;
	[tilespmem:$0x1FF00] =	vst v63  }
0x58: {  	s29 =	sadd.s32 $0x100, s29;
	s30 =	sadd.s32 $0x20, s30  }
.LBB2_3:
0x59: {  	[tilespmem:s21], [sflag:$0x2] =	stream.indirect.gather [hbm4b:s4+s18], $0x80, s0, s18, $0xb8;
	[tilespmem:$0x1FF00] =	vst v63  }
0x5a: {  	_ =	swait.ge [sflag:s16], $0x4000  }
0x5b: {  	[sflag:s16] =	ssyncset.done $0x0  }
0x5c: {  	[sflag:s16] =	ssyncadd.s32 $0xFFFFC000  }
0x5d: {  	_ =	swait.ge [sflag:s22], $0x80  }
0x5e: {  	[sflag:s22] =	ssyncset.done $0x0  }
0x5f: {  	[sflag:s22] =	ssyncadd.s32 $0xFFFFFF80  }
0x60: {  	[spmem:s2] =	stream.indirect.scatter.add.f32 [tilespmem:s19], [sflag:$0x3], $0x80, s17, s18, $0xb8;
	[tilespmem:$0x1FF00] =	vst v63  }
0x61: {  	_ =	swait.ge [sflag:s23], $0x4000  }
0x62: {  	[sflag:s23] =	ssyncset.done $0x0  }
0x63: {  	[sflag:s23] =	ssyncadd.s32 $0xFFFFC000  }
0x64: {  	_ =	swait.ge [sflag:s24], $0x80  }
0x65: {  	[sflag:s24] =	ssyncset.done $0x0  }
0x66: {  	[sflag:s24] =	ssyncadd.s32 $0xFFFFFF80  }
0x67: {  	[spmem:s2] =	stream.indirect.scatter.add.f32 [tilespmem:s21], [sflag:$0x4], $0x80, s20, s18, $0xb8;
	[tilespmem:$0x1FF00] =	vst v63  }
0x68: {  	p0 =	slt.u32 s31, s5;
	_ =	swait.ge [sflag:s25], $0x4000  }
0x69: {  	s0 =	sadd.s32 @p0 $0xFFFFFFF0, s30;
	[sflag:s25] =	ssyncset.done $0x0  }
0x6a: {  	s6 =	simm.s32 @p0 $0x0;
	s31 =	simm.s32 @p0 $0x3E00;
	[sflag:s25] =	ssyncadd.s32 $0xFFFFC000  }
0x6b: {  	[tilespmem:s31], [sflag:$0x5] =	stream.linear.gather @p0 [hbm4b:s0+s6], $0x80, $0x38;
	[tilespmem:$0x1FF00] =	vst v63  }
0x6c: {  	s0 =	sadd.s32 @p0 $0x80, s1;
	s1 =	simm.s32 @p0 $0x80;
	s31 =	simm.s32 @p0 $0x3F00  }
0x6d: {  	[tilespmem:s31], [sflag:$0x1] =	stream.indirect.gather @p0 [hbm4b:s4+s1], $0x80, s0, s1, $0xb8;
	[tilespmem:$0x1FF00] =	vst v63  }
0x6e: {  	s0 =	simm.s32 @p0 $0x4  }
0x6f: {  	_ =	swait.ge @p0 [sflag:s0], $0x4000  }
0x70: {  	[sflag:s0] =	ssyncset.done @p0 $0x0  }
0x71: {  	[sflag:s0] =	ssyncadd.s32 @p0 $0xFFFFC000;
	s0 =	simm.s32 @p0 $0x3E80  }
0x72: {  	[tilespmem:s0], [sflag:$0x6] =	stream.linear.gather @p0 [hbm4b:s30+s6], $0x80, $0x38;
	[tilespmem:$0x1FF00] =	vst v63  }
0x73: {  	s0 =	simm.s32 @p0 $0x7F00  }
0x74: {  	[tilespmem:s0], [sflag:$0x2] =	stream.indirect.gather @p0 [hbm4b:s4+s1], $0x80, s29, s1, $0xb8;
	[tilespmem:$0x1FF00] =	vst v63  }
0x75: {  	s0 =	simm.s32 @!p0 $0x4  }
0x76: {  	_ =	swait.ge @!p0 [sflag:s0], $0x4000  }
0x77: {  	s28 =	sadd.s32 $0x1, s28;
	[sflag:s0] =	ssyncset.done @!p0 $0x0  }
0x78: {  	[sflag:s0] =	ssyncadd.s32 @!p0 $0xFFFFC000;
	p0 =	sne.s32 s28, s12  }
.Ltmp2:
0x79: {  	[bflag:$0x0] =	sbarrier.arrive $0xFFFF;
	(pc) =	sbr.rel @p0 .LBB2_1-.Ltmp2, $4  }
0x7a: {  	[hbm:s11], [sflag:s8] =	dma.local [spmem:s14], $0x2800  }
0x7b: {  	_ =	swait.ge [sflag:s15], $0x2800  }
0x7c: {  	[sflag:s15] =	ssyncset.done $0x0  }
0x7d: {  	[sflag:s15] =	ssyncadd.s32 $0xFFFFD800  }
0x7e: {  	_ =	sfence.sel $0x180000  }
0x7f: {  	[bflag:$0x0] =	sbarrier.arrive $0xFFFF  }
0x80: {  	_ =	strace $0x9000004D  }
0x81: {  	s0 =	stileid.u32;
	[bflag:$0x2] =	sbarrier.arrive $0xFFFF  }
0x82: {  	p0 =	sne.s32 s0, $0x0;
	s0 =	rddreg [dreg:$0x2]  }
0x83: {  	s0 =	sadd.s32 @!p0 $0x100000, s0  }
0x84: {  	[sflag:s0] =	ssyncadd.tile.s32 @!p0 $0x1;
	_ =	shalt  }
.Lfunc_end2:
_tile_overlayer_lowered:
.L_overlay_start_2:
0x85: {  	(tag) =	ssettag $0x2  }
0x86: {  	s0 =	rddreg [dreg:$0x0];
	s2 =	stileid.u32  }
0x87: {  	s1 =	rddreg [dreg:$0x1];
	p0 =	sne.s32 s2, $0x0  }
0x88: {  	s3 =	rddreg [dreg:$0x2];
	[bflag:$0x3] =	sbarrier.arrive $0xFFFF;
	s2 =	simm.s32 @!p0 $0x1C07  }
0x89: {  	[timem:s3], [sflag:s2] =	dma.local @!p0 [hbm:s0], s1  }
0x8a: {  	s0 =	simm.s32 @!p0 $0x7  }
0x8b: {  	_ =	swait.ge @!p0 [sflag:s0], s1  }
0x8c: {  	s1 =	ssub.s32 @!p0 $0x0, s1;
	[sflag:s0] =	ssyncset.done @!p0 $0x0  }
0x8d: {  	[sflag:s0] =	ssyncadd.s32 @!p0 s1  }
0x8e: {  	[bflag:$0x3] =	sbarrier.arrive $0xFFFF  }
0x8f: {  	_ =	shalt  }

// kernel: kernel.8.cloned.1.call-start
scs
__scs_entry_jumppad:
0x0: {  	(pc) =	sbr.rel $0x88, $3  }
0x1: {  	(tag) =	ssettag $0x0;
	lr =	simm.s32 $0x1  }
0x2: {  	[smem:$0x3F9B] =	sst lr;
	_ =	strace $0xD0000000  }
0x3: {  	_ = 	snop  }
0x4: {  	_ = 	snop  }
0x5: {  	_ = 	snop  }
0x6: {  	_ = 	snop  }
0x7: {  	_ = 	snop  }
__scs_overlays_trampoline_lowered:
0x8: {  	[smem:$0x3FAA] =	sst s0  }
0x9: {  	[smem:$0x3FAB] =	sst s1  }
0xa: {  	[smem:$0x3FAC] =	sst s2  }
0xb: {  	[smem:$0x3FAD] =	sst s3  }
0xc: {  	[smem:$0x3FAE] =	sst s4  }
0xd: {  	[smem:$0x3FAF] =	sst s5  }
0xe: {  	[smem:$0x3FB0] =	sst s6  }
0xf: {  	[smem:$0x3FB1] =	sst s7  }
0x10: {  	[smem:$0x3FB2] =	sst s8  }
0x11: {  	[smem:$0x3FB3] =	sst s9;
	s0 =	simm.s32 @!p0 $0x0  }
0x12: {  	s1 =	sld [smem:$0x3F99];
	s0 =	simm.s32 @p0 $0x1  }
0x13: {  	[smem:$0x3FB4] =	sst s0;
	s0 =	simm.s32 @!p1 $0x0  }
0x14: {  	s2 =	sld [smem:$0x3F98];
	s0 =	simm.s32 @p1 $0x1  }
0x15: {  	[smem:$0x3FB5] =	sst s0;
	s0 =	simm.s32 @!p2 $0x0  }
0x16: {  	s3 =	sld [smem:$0x3FDB];
	s0 =	simm.s32 @p2 $0x1  }
0x17: {  	s4 =	simm.s32 $0x1BF5;
	[smem:$0x3FB7] =	sst s0  }
0x18: {  	s0 =	sld [smem:$0x3F9A];
	_ =	swait.ge [sflag:s4], $0x0  }
0x19: {  	s7 =	sld [smem:$0x3F9B]  }
0x1a: {  	s8 =	sadd.s32 $0xFFFFE003, lr  }
0x1b: {  	s9 =	sadd.s32 $0xFFFFFEF7, lr;
	s5 =	simm.s32 $0xFFFFFFFF;
	p2 =	slt.u32 s8, $0xFFFFF086  }
0x1c: {  	p1 =	slt.u32 s9, $0xF7A;
	s5 =	simm.s32 @!p2 $0x0  }
0x1d: {  	s5 =	simm.s32 @p1 $0x1;
	p0 =	seq.s32 s7, s2  }
0x1e: {  	s7 =	smul.u32 @!p0 $0xF7A, s2;
	p2 =	seq.s32 @!p0 s5, $0x0  }
0x1f: {  	s9 =	smul.u32 $0xF7A, s1;
	s8 =	simm.s32 @!p0 $0x1BF5;
	p2 =	por !p2, p0  }
0x20: {  	[sflag:s8] =	ssyncset.s32 @!p0 $0xFFFFF086;
	s6 =	sadd.s32 @!p0 s3, s7;
	s7 =	simm.s32 @!p0 $0x108  }
0x21: {  	s3 =	sadd.s32 s3, s9;
	s6 =	sadd.s32 @!p0 $0x88, s6;
	s7 =	simm.s32 @p2 $0x1082  }
0x22: {  	[simem:s7], [sflag:s8] =	dma.local @!p0 [hbm:s6], $0xF7A  }
0x23: {  	s9 =	sor.u32 $0xD0000000, s2;
	s6 =	simm.s32 $0x108;
	_ =	swait.ge @!p0 [sflag:s8], $0x0  }
0x24: {  	s3 =	sadd.s32 $0x88, s3;
	s6 =	simm.s32 @!p1 $0x1082;
	[sflag:s4] =	ssyncset.s32 $0xFFFFF086  }
0x25: {  	[simem:s6], [sflag:s4] =	dma.local [hbm:s3], $0xF7A  }
0x26: {  	[smem:$0x3F9B] =	sst s1;
	(tag) =	ssettag s2;
	_ =	strace s9  }
0x27: {  	s1 =	sld [smem:$0x3FAB]  }
0x28: {  	s2 =	sld [smem:$0x3FAC]  }
0x29: {  	s4 =	sld [smem:$0x3FAE]  }
0x2a: {  	p0 =	seq.s32 s5, $0x0;
	s5 =	sld [smem:$0x3FAF]  }
0x2b: {  	s6 =	sld [smem:$0x3FB0]  }
0x2c: {  	s7 =	sld [smem:$0x3FB1]  }
0x2d: {  	s3 =	simm.s32 $0x108;
	s8 =	sld [smem:$0x3FB2]  }
0x2e: {  	s3 =	simm.s32 @!p0 $0x1082;
	s9 =	sld [smem:$0x3FB3]  }
0x2f: {  	lr =	sadd.s32 s0, s3;
	s0 =	sld [smem:$0x3FAA]  }
0x30: {  	s3 =	sld [smem:$0x3FAD]  }
0x31: {  	[smem:$0x3FB6] =	sst s10  }
0x32: {  	s10 =	sld [smem:$0x3FB4];
	_ =	sdelay $0x3  }
0x33: {  	p0 =	seq.s32 s10, $0x1;
	s10 =	sld [smem:$0x3FB6];
	_ =	sdelay $0x3  }
0x34: {  	[smem:$0x3FB6] =	sst s10  }
0x35: {  	s10 =	sld [smem:$0x3FB5];
	_ =	sdelay $0x3  }
0x36: {  	p1 =	seq.s32 s10, $0x1;
	s10 =	sld [smem:$0x3FB6];
	_ =	sdelay $0x3  }
0x37: {  	[smem:$0x3FB6] =	sst s10  }
0x38: {  	s10 =	sld [smem:$0x3FB7]  }
0x39: {  	_ = 	snop;
	(pc) =	sbr.ind lr, $3  }
0x3a: {  	_ = 	snop  }
0x3b: {  	_ = 	snop  }
0x3c: {  	p2 =	seq.s32 s10, $0x1;
	s10 =	sld [smem:$0x3FB6]  }
0x3d: {  	_ =	shalt  }
0x3e: {  	_ =	shalt  }
0x3f: {  	_ =	shalt  }
0x40: {  	_ =	shalt  }
0x41: {  	_ =	shalt  }
0x42: {  	_ =	shalt  }
0x43: {  	_ =	shalt  }
0x44: {  	_ =	shalt  }
0x45: {  	_ =	shalt  }
0x46: {  	_ =	shalt  }
0x47: {  	_ =	shalt  }
0x48: {  	_ =	shalt  }
0x49: {  	_ =	shalt  }
0x4a: {  	_ =	shalt  }
0x4b: {  	_ =	shalt  }
0x4c: {  	_ =	shalt  }
0x4d: {  	_ =	shalt  }
0x4e: {  	_ =	shalt  }
0x4f: {  	_ =	shalt  }
0x50: {  	_ =	shalt  }
0x51: {  	_ =	shalt  }
0x52: {  	_ =	shalt  }
0x53: {  	_ =	shalt  }
0x54: {  	_ =	shalt  }
0x55: {  	_ =	shalt  }
0x56: {  	_ =	shalt  }
0x57: {  	_ =	shalt  }
0x58: {  	_ =	shalt  }
0x59: {  	_ =	shalt  }
0x5a: {  	_ =	shalt  }
0x5b: {  	_ =	shalt  }
0x5c: {  	_ =	shalt  }
0x5d: {  	_ =	shalt  }
0x5e: {  	_ =	shalt  }
0x5f: {  	_ =	shalt  }
0x60: {  	_ =	shalt  }
0x61: {  	_ =	shalt  }
0x62: {  	_ =	shalt  }
0x63: {  	_ =	shalt  }
0x64: {  	_ =	shalt  }
0x65: {  	_ =	shalt  }
0x66: {  	_ =	shalt  }
0x67: {  	_ =	shalt  }
0x68: {  	_ =	shalt  }
0x69: {  	_ =	shalt  }
0x6a: {  	_ =	shalt  }
0x6b: {  	_ =	shalt  }
0x6c: {  	_ =	shalt  }
0x6d: {  	_ =	shalt  }
0x6e: {  	_ =	shalt  }
0x6f: {  	_ =	shalt  }
0x70: {  	_ =	shalt  }
0x71: {  	_ =	shalt  }
0x72: {  	_ =	shalt  }
0x73: {  	_ =	shalt  }
0x74: {  	_ =	shalt  }
0x75: {  	_ =	shalt  }
0x76: {  	_ =	shalt  }
0x77: {  	_ =	shalt  }
0x78: {  	_ =	shalt  }
0x79: {  	_ =	shalt  }
0x7a: {  	_ =	shalt  }
0x7b: {  	_ =	shalt  }
0x7c: {  	_ =	shalt  }
0x7d: {  	_ =	shalt  }
0x7e: {  	_ =	shalt  }
0x7f: {  	_ =	shalt  }
0x80: {  	_ =	shalt  }
0x81: {  	_ =	shalt  }
0x82: {  	_ =	shalt  }
0x83: {  	_ =	shalt  }
0x84: {  	_ =	shalt  }
0x85: {  	_ =	shalt  }
0x86: {  	_ =	shalt  }
0x87: {  	_ =	shalt  }
.Lfunc_end0:
.L_simem_size_0:
called_computation_lowered:
.L_overlay_start_0:
0x88: {  	s2 =	sld [smem:$0x3FD9]  }
0x89: {  	s3 =	sld [smem:$0x3FFE];
	_ =	sdelay $0x1  }
0x8a: {  	s1 =	srdreg.scid  }
0x8b: {  	s0 =	sand.u32 $0x1, s1  }
0x8c: {  	s17 =	sshll.u32 s0, $0xA;
	s2 =	sadd.s32 s3, s2  }
0x8d: {  	s2 =	sadd.s32 s2, s17  }
0x8e: {  	[smem:$0x3FC2] =	sst s2  }
0x8f: {  	_ = 	snop  }
0x90: {  	s2 =	sld [smem:$0x3FD0];
	(tm) =	ssettm $0x1  }
0x91: {  	s18 =	sld [smem:$0x3FFB];
	_ =	sdelay $0x3  }
0x92: {  	_ =	strace s18  }
0x93: {  	s3 =	sld [smem:$0x3FFC];
	_ =	sdelay $0x3  }
0x94: {  	_ =	strace s3  }
0x95: {  	s3 =	sld [smem:$0x3FFD];
	_ =	sdelay $0x3  }
0x96: {  	_ =	strace s3  }
0x97: {  	_ =	strace $0x8FFFFFFF  }
0x98: {  	s19 =	sld [smem:$0x3FDB];
	_ =	sdelay $0x1  }
0x99: {  	s4 =	simm.s32 $_scs_section_size  }
0x9a: {  	s5 =	simm.s32 $_size__tile_overlayer_lowered;
	s6 =	simm.s32 $_tile_overlayer_lowered  }
0x9b: {  	s22 =	simm.s32 $0x1BFF;
	s21 =	sshll.u32 s6, $0x1;
	s3 =	sadd.s32 s4, s19  }
0x9c: {  	s7 =	simm.s32 $0x0;
	s20 =	sshll.u32 s5, $0x1;
	s5 =	sadd.s32 s21, s3  }
0x9d: {  	[timem:s7], [sflag:s22] =	dma.local [hbm:s5], s20  }
0x9e: {  	_ =	swait.ge [sflag:s22], s20  }
0x9f: {  	s4 =	ssub.s32 $0x0, s20;
	[sflag:s22] =	ssyncset.done $0x0  }
0xa0: {  	[sflag:s22] =	ssyncadd.s32 s4;
	_ =	sdelay $0x1  }
0xa1: {  	s23 =	simm.s32 $0x1B8B  }
0xa2: {  	_ =	swait.ge [sflag:s23], $0x1  }
0xa3: {  	[sflag:s23] =	ssyncset.done $0x0  }
0xa4: {  	s25 =	simm.s32 $0x1B8E;
	s24 =	sld [smem:$0x3FFE];
	[sflag:s23] =	ssyncadd.s32 $0xFFFFFFFF  }
0xa5: {  	s26 =	simm.s32 $execute0_lowered;
	[smem:$0x3FD2] =	sst s25  }
0xa6: {  	s5 =	sshll.u32 s26, $0x1;
	_ =	strace $0x80000046;
	[dreg:$0x1] =	wrdreg $0xFFFFFFFF  }
0xa7: {  	s28 =	simm.s32 $_size_execute0_lowered;
	s3 =	sadd.s32 s3, s5;
	[dreg:$0x0] =	wrdreg $0x0  }
0xa8: {  	s5 =	sshll.u32 s28, $0x1;
	[dreg:$0x2] =	wrdreg s3  }
0xa9: {  	[dreg:$0x3] =	wrdreg s5  }
0xaa: {  	[dreg:$0x4] =	wrdreg $0xC0  }
0xab: {  	_ =	task [dreg:s7], $0x5FFFF  }
0xac: {  	[dreg:$0x1] =	wrdreg $0xFFFFFFFF  }
0xad: {  	[dreg:$0x0] =	wrdreg $0x60  }
0xae: {  	[dreg:$0x2] =	wrdreg s24  }
0xaf: {  	[dreg:$0x3] =	wrdreg s2  }
0xb0: {  	[dreg:$0x4] =	wrdreg $0x40800  }
0xb1: {  	[dreg:$0x5] =	wrdreg $0x9  }
0xb2: {  	_ =	task.clear_ibuf [dreg:s7], $0x6FFFF;
	_ =	strace $0x90000046  }
0xb3: {  	s29 =	simm.s32 $0x9;
	_ =	strace $0x80000048  }
0xb4: {  	_ =	swait.ge [sflag:s29], $0x1  }
0xb5: {  	[sflag:s29] =	ssyncadd.s32 $0xFFFFFFFF  }
0xb6: {  	_ =	strace $0x90000048  }
0xb7: {  	_ =	sfence  }
0xb8: {  	s30 =	sld [smem:$0x0];
	_ =	sdelay $0x2  }
0xb9: {  	s31 =	sshll.u32 s1, $0xD;
	s1 =	sshrl.u32 s1, $0x2  }
0xba: {  	s3 =	sand.u32 $0x4000, s31;
	s1 =	sadd.s32 s1, s30  }
0xbb: {  	s0 =	sor.u32 s3, s0;
	s1 =	sshll.u32 s1, $0x11  }
0xbc: {  	s0 =	sor.u32 s1, s0  }
0xbd: {  	s0 =	sadd.s32 $0x8F2B, s0  }
0xbe: {  	[sflag:s0] =	ssyncadd.remote.s32 $0x1  }
0xbf: {  	_ =	sfence.sel $0xFFFF  }
0xc0: {  	[dreg:$0x0] =	wrdreg $0xFFFFFFFF;
	(pc) =	sbr.abs _section_cstart, $3  }
0xc1: {  	[dreg:$0x1] =	wrdreg $0xFFFFFFFF  }
0xc2: {  	_ =	task.clear_ibuf [dreg:s7], $0x2FFFF;
	_ =	strace $0x9FFFFFFF  }
0xc3: {  	(tm) =	ssettm $0x7FFFFFFF  }
tec
execute0_lowered:
.L_overlay_start_1:
0x0: {  	(tag) =	ssettag $0x1  }
0x1: {  	s5 =	rddreg [dreg:$0x0]  }
0x2: {  	s2 =	rddreg [dreg:$0x1]  }
0x3: {  	s3 =	rddreg [dreg:$0x2]  }
0x4: {  	s0 =	rddreg [dreg:$0x3];
	s1 =	stileid.u32  }
0x5: {  	s7 =	srdreg.scid;
	s4 =	simm.s32 $0x0;
	s6 =	smul.u32 $0xA00, s1  }
0x6: {  	s14 =	simm.s32 $0x0;
	s8 =	smul.u32 $0x14000, s1;
	s7 =	sand.u32 $0x1, s7  }
0x7: {  	[smem:$0x7FF] =	sst s4;
	s12 =	smul.u32 $0x50000, s1;
	s29 =	sshll.u32 s1, $0x6  }
0x8: {  	s9 =	smul.u32 $0x140000, s7;
	_ =	strace $0x80000047;
	s26 =	ssub.s32 $0x2, s7  }
0x9: {  	s30 =	smul.u32 $0x500, s7;
	s10 =	sadd.s32 s6, s5;
	s25 =	sshrl.u32 s8, $0x3  }
0xa: {  	s11 =	sshrl.u32 s26, $0x1;
	s28 =	sshrl.u32 s12, $0x2;
	s12 =	simm.s32 $0x2  }
0xb: {  	s8 =	sadd.s32 s8, s9;
	s6 =	sadd.s32 s25, s5;
	s9 =	ssub.s32 s26, s11  }
0xc: {  	s13 =	sadd.s32 s28, s3;
	s31 =	sadd.s32 s30, s10;
	s10 =	simm.s32 $0x80  }
0xd: {  	s8 =	sshrl.u32 s8, $0x3;
	s11 =	sshrl.u32 s13, $0x3;
	s13 =	simm.s32 $0x1  }
0xe: {  	s8 =	sadd.s32 s8, s5;
	s5 =	sadd.s32 $0xBE00, s6;
	s6 =	sor.u32 $0x1C02, s29  }
0xf: {  	s7 =	sadd.s32 $0x33E00, s8;
	s8 =	smax.u32 s9, $0x1;
	s9 =	sadd.s32 $0x1E00, s31  }
.LBB2_1:
0x10: {  	[tilespmem:s10], [sflag:$0x1] =	stream.linear.gather [hbm4b:s2+s4], $0x4000, $0x38;
	[tilespmem:$0x18080] =	vst v63  }
0x11: {  	[spmem:s11], [sflag:s6] =	dma.local [hbm:s5], $0x2800  }
0x12: {  	_ =	swait.ge [sflag:s12], $0x2800  }
0x13: {  	[sflag:s12] =	ssyncset.done $0x0  }
0x14: {  	[sflag:s12] =	ssyncadd.s32 $0xFFFFD800  }
0x15: {  	_ =	swait.ge [sflag:s13], $0x4000  }
0x16: {  	[sflag:s13] =	ssyncset.done $0x0  }
0x17: {  	[sflag:s13] =	ssyncadd.s32 $0xFFFFC000  }
0x18: {  	s15 =	sadd.s32 $0x0, s9;
	[bflag:$0x0] =	sbarrier.arrive $0xFFFF  }
0x19: {  	[tilespmem:s4], [sflag:$0x2] =	stream.linear.gather [hbm4b:s15+s4], $0x80, $0x38;
	[tilespmem:$0x18080] =	vst v63  }
0x1a: {  	_ =	swait.ge [sflag:s12], $0x80  }
0x1b: {  	[sflag:s12] =	ssyncset.done $0x0  }
0x1c: {  	[sflag:s12] =	ssyncadd.s32 $0xFFFFFF80  }
0x1d: {  	[spmem:s3] =	stream.indirect.scatter.add.f32 [tilespmem:s10], [sflag:$0x2], $0x80, s4, s10, $0xb8;
	[tilespmem:$0x18080] =	vst v63  }
0x1e: {  	_ =	swait.ge [sflag:s12], $0x4000  }
0x1f: {  	s16 =	simm.s32 $0x20;
	s15 =	simm.s32 $0x10;
	[sflag:s12] =	ssyncset.done $0x0  }
.LBB2_2:
0x20: {  	s17 =	sadd.s32 s15, s9  }
0x21: {  	[sflag:s12] =	ssyncadd.s32 $0xFFFFC000;
	s15 =	smov.u32 s16;
	s18 =	sadd.s32 $0x10, s16  }
0x22: {  	[tilespmem:s4], [sflag:$0x2] =	stream.linear.gather [hbm4b:s17+s4], $0x80, $0x38;
	[tilespmem:$0x18080] =	vst v63  }
0x23: {  	p0 =	sne.s32 s16, $0x4F0;
	_ =	swait.ge [sflag:s12], $0x80  }
.Ltmp0:
0x24: {  	[sflag:s12] =	ssyncset.done $0x0;
	(pc) =	sbr.rel @p0 .LBB2_2-.Ltmp0, $4  }
0x25: {  	[sflag:s12] =	ssyncadd.s32 $0xFFFFFF80  }
0x26: {  	[spmem:s3] =	stream.indirect.scatter.add.f32 [tilespmem:s10], [sflag:$0x2], $0x80, s4, s10, $0xb8;
	[tilespmem:$0x18080] =	vst v63  }
0x27: {  	_ =	swait.ge [sflag:s12], $0x4000  }
0x28: {  	s16 =	smov.u32 s18;
	[sflag:s12] =	ssyncset.done $0x0  }
0x29: {  	s15 =	sadd.s32 s15, s9;
	[sflag:s12] =	ssyncadd.s32 $0xFFFFC000  }
0x2a: {  	[tilespmem:s4], [sflag:$0x2] =	stream.linear.gather [hbm4b:s15+s4], $0x80, $0x38;
	[tilespmem:$0x18080] =	vst v63  }
0x2b: {  	_ =	swait.ge [sflag:s12], $0x80  }
0x2c: {  	[sflag:s12] =	ssyncset.done $0x0  }
0x2d: {  	[sflag:s12] =	ssyncadd.s32 $0xFFFFFF80  }
0x2e: {  	[spmem:s3] =	stream.indirect.scatter.add.f32 [tilespmem:s10], [sflag:$0x2], $0x80, s4, s10, $0xb8;
	[tilespmem:$0x18080] =	vst v63  }
0x2f: {  	_ =	swait.ge [sflag:s12], $0x4000  }
0x30: {  	s14 =	sadd.s32 $0x1, s14;
	[sflag:s12] =	ssyncset.done $0x0  }
0x31: {  	p0 =	sne.s32 s14, s8;
	[sflag:s12] =	ssyncadd.s32 $0xFFFFC000  }
.Ltmp1:
0x32: {  	[bflag:$0x0] =	sbarrier.arrive $0xFFFF;
	(pc) =	sbr.rel @p0 .LBB2_1-.Ltmp1, $4  }
0x33: {  	[hbm:s7], [sflag:s6] =	dma.local [spmem:s11], $0x2800  }
0x34: {  	_ =	swait.ge [sflag:s12], $0x2800  }
0x35: {  	[sflag:s12] =	ssyncset.done $0x0  }
0x36: {  	[sflag:s12] =	ssyncadd.s32 $0xFFFFD800  }
0x37: {  	_ =	sfence.sel $0x180000  }
0x38: {  	[bflag:$0x0] =	sbarrier.arrive $0xFFFF  }
0x39: {  	p0 =	sne.s32 s1, $0x0;
	_ =	strace $0x90000047  }
0x3a: {  	s0 =	sadd.s32 @!p0 $0x100000, s0;
	[bflag:$0x2] =	sbarrier.arrive $0xFFFF  }
0x3b: {  	[sflag:s0] =	ssyncadd.tile.s32 @!p0 $0x1;
	_ =	shalt  }
.Lfunc_end2:
_tile_overlayer_lowered:
.L_overlay_start_2:
0x3c: {  	(tag) =	ssettag $0x2  }
0x3d: {  	s0 =	rddreg [dreg:$0x0];
	s2 =	stileid.u32  }
0x3e: {  	s1 =	rddreg [dreg:$0x1];
	p0 =	sne.s32 s2, $0x0  }
0x3f: {  	s3 =	rddreg [dreg:$0x2];
	[bflag:$0x3] =	sbarrier.arrive $0xFFFF;
	s2 =	simm.s32 @!p0 $0x1C02  }
0x40: {  	[timem:s3], [sflag:s2] =	dma.local @!p0 [hbm:s0], s1  }
0x41: {  	s0 =	simm.s32 @!p0 $0x2  }
0x42: {  	_ =	swait.ge @!p0 [sflag:s0], s1  }
0x43: {  	s1 =	ssub.s32 @!p0 $0x0, s1;
	[sflag:s0] =	ssyncset.done @!p0 $0x0  }
0x44: {  	[sflag:s0] =	ssyncadd.s32 @!p0 s1  }
0x45: {  	[bflag:$0x3] =	sbarrier.arrive $0xFFFF  }
0x46: {  	_ =	shalt  }

</sc_bundles>
